<compile_context>
chip_gen: v7x
topology: tpu7x:2x2x1
jax: 0.10.2.dev20260603
libtpu: 0.0.44.dev20260713+nightly
codegen_flags: <defaults>
</compile_context>

<pallas_src>
import functools

import jax
import jax.numpy as jnp
from jax import lax
from jax.experimental import pallas as pl
from jax.experimental.pallas import tpu as pltpu
from jax.experimental.pallas import tpu_sc as plsc

E = 8
H = 1024
I = 2048
N = 2048
T = 256
G = N // T + E
PADDED = G * T

NW = 32
TPW = N // NW
CH = 16


def _route_kernel(x_ref, wg_ref, pos_ref, te_ref, valid_ref, row_ref):
    x = x_ref[...]
    wg = wg_ref[...]
    scores = lax.dot_general(wg, x, (((1,), (1,)), ((), ())),
                             preferred_element_type=jnp.float32)
    e_iota = lax.broadcasted_iota(jnp.int32, (E, N), 0)
    mx = jnp.max(scores, axis=0, keepdims=True)
    idx = jnp.min(jnp.where(scores == mx, e_iota, E), axis=0, keepdims=True)
    onehot = (e_iota == idx).astype(jnp.float32)

    r = lax.broadcasted_iota(jnp.int32, (N, N), 0)
    c = lax.broadcasted_iota(jnp.int32, (N, N), 1)
    tri = (r <= c).astype(jnp.float32)
    csum = lax.dot_general(onehot, tri, (((1,), (0,)), ((), ())),
                           preferred_element_type=jnp.float32)

    counts = csum[:, N - 1:N]
    counts_i = counts.astype(jnp.int32)
    pc_i = ((counts_i + (T - 1)) // T) * T
    pc = pc_i.astype(jnp.float32)

    er = lax.broadcasted_iota(jnp.int32, (E, E), 0)
    ec = lax.broadcasted_iota(jnp.int32, (E, E), 1)
    lo = (ec < er).astype(jnp.float32)
    pc_wide = jnp.broadcast_to(pc, (E, 128))
    poff_wide = lax.dot_general(lo, pc_wide, (((1,), (0,)), ((), ())),
                                preferred_element_type=jnp.float32)
    poff = poff_wide[:, 0:1]

    pos = jnp.sum(onehot * (poff + csum - 1.0), axis=0, keepdims=True)
    pos_ref[...] = pos.astype(jnp.int32)

    gt = (lax.broadcasted_iota(jnp.int32, (1, G), 1) * T).astype(jnp.float32)
    eg = lax.broadcasted_iota(jnp.int32, (E, G), 0)
    covered = jnp.logical_and(poff <= gt, eg >= 1)
    te_raw = jnp.sum(covered.astype(jnp.int32), axis=0, keepdims=True)
    nz = counts > 0.0
    e_id = lax.broadcasted_iota(jnp.int32, (E, 1), 0)
    e_last = jnp.max(jnp.where(nz, e_id, 0), axis=0, keepdims=True)
    te_ref[...] = jnp.minimum(te_raw, e_last)
    total = poff[E - 1:E, 0:1] + pc[E - 1:E, 0:1]
    valid_ref[...] = (gt < total).astype(jnp.int32)
    g_iota = lax.broadcasted_iota(jnp.int32, (1, G), 1)
    last_valid = (total.astype(jnp.int32) // T) - 1
    row_ref[...] = jnp.minimum(g_iota, last_valid)


def _mm_kernel(te_ref, valid_ref, row_ref, xs_ref, we_ref, ys_ref):
    g = pl.program_id(0)

    @pl.when(valid_ref[g] == 1)
    def _():
        ys_ref[...] = lax.dot_general(
            xs_ref[...], we_ref[0],
            (((1,), (1,)), ((), ())),
            preferred_element_type=jnp.float32)


@functools.cache
def _sc_kernels():
    mesh = plsc.VectorSubcoreMesh(core_axis_name="c", subcore_axis_name="s")

    DC = TPW // 2

    @functools.partial(
        pl.kernel,
        mesh=mesh,
        out_type=jax.ShapeDtypeStruct((PADDED, H), jnp.float32),
        scratch_types=[
            pltpu.VMEM((2, DC), jnp.int32),
            pltpu.VMEM((DC, H), jnp.float32),
            pltpu.VMEM((DC, H), jnp.float32),
            pltpu.SemaphoreType.DMA,
            pltpu.SemaphoreType.DMA,
            pltpu.SemaphoreType.DMA,
            pltpu.SemaphoreType.DMA,
        ],
    )
    def _dispatch(x_hbm, pos_hbm, xs_hbm, idx_v, rows0, rows1, l0, l1, s0, s1):
        wid = lax.axis_index("s") * 2 + lax.axis_index("c")
        base = wid * TPW
        pltpu.sync_copy(pos_hbm.at[pl.ds(base, DC)], idx_v.at[0])
        pltpu.sync_copy(pos_hbm.at[pl.ds(base + DC, DC)], idx_v.at[1])
        ld0 = pltpu.async_copy(x_hbm.at[pl.ds(base, DC)], rows0, l0)
        ld1 = pltpu.async_copy(x_hbm.at[pl.ds(base + DC, DC)], rows1, l1)
        ld0.wait()
        st0 = pltpu.async_copy(rows0, xs_hbm.at[idx_v.at[0]], s0)
        ld1.wait()
        st1 = pltpu.async_copy(rows1, xs_hbm.at[idx_v.at[1]], s1)
        st0.wait()
        st1.wait()

    NCH = TPW // CH

    @functools.partial(
        pl.kernel,
        mesh=mesh,
        out_type=jax.ShapeDtypeStruct((N, I), jnp.float32),
        scratch_types=[
            pltpu.VMEM((CH,), jnp.int32),
            pltpu.VMEM((CH,), jnp.int32),
            pltpu.VMEM((CH, I), jnp.float32),
            pltpu.VMEM((CH, I), jnp.float32),
            pltpu.SemaphoreType.DMA,
            pltpu.SemaphoreType.DMA,
            pltpu.SemaphoreType.DMA,
            pltpu.SemaphoreType.DMA,
        ],
    )
    def _combine(ys_hbm, pos_hbm, out_hbm, idx0, idx1, rows0, rows1,
                 g0, g1, s0, s1):
        wid = lax.axis_index("s") * 2 + lax.axis_index("c")
        base = wid * TPW
        idx = (idx0, idx1)
        rows = (rows0, rows1)
        gsem = (g0, g1)
        ssem = (s0, s1)
        gathers = [None, None]
        stores = [None, None]
        for c in range(NCH):
            b = c % 2
            if stores[b] is not None:
                stores[b].wait()
            pltpu.sync_copy(pos_hbm.at[pl.ds(base + c * CH, CH)], idx[b])
            gathers[b] = pltpu.async_copy(ys_hbm.at[idx[b]], rows[b], gsem[b])
            o = 1 - b
            if gathers[o] is not None:
                gathers[o].wait()
                off = base + (c - 1) * CH
                stores[o] = pltpu.async_copy(
                    rows[o], out_hbm.at[pl.ds(off, CH)], ssem[o])
                gathers[o] = None
        last = NCH - 1
        b = last % 2
        gathers[b].wait()
        stores[b] = pltpu.async_copy(
            rows[b], out_hbm.at[pl.ds(base + last * CH, CH)], ssem[b])
        for st in stores:
            if st is not None:
                st.wait()

    return _dispatch, _combine


def kernel(x, Wg, We):
    pos2d, te2d, valid2d, row2d = pl.pallas_call(
        _route_kernel,
        out_shape=[
            jax.ShapeDtypeStruct((1, N), jnp.int32),
            jax.ShapeDtypeStruct((1, G), jnp.int32),
            jax.ShapeDtypeStruct((1, G), jnp.int32),
            jax.ShapeDtypeStruct((1, G), jnp.int32),
        ],
    )(x, Wg)
    pos = pos2d.reshape(N)
    te = te2d.reshape(G)
    valid = valid2d.reshape(G)
    row = row2d.reshape(G)

    dispatch, combine = _sc_kernels()
    xs = dispatch(x, pos)

    grid_spec = pltpu.PrefetchScalarGridSpec(
        num_scalar_prefetch=3,
        grid=(G,),
        in_specs=[
            pl.BlockSpec((T, H), lambda g, te, valid, row: (row[g], 0)),
            pl.BlockSpec((1, I, H), lambda g, te, valid, row: (te[g], 0, 0)),
        ],
        out_specs=pl.BlockSpec((T, I), lambda g, te, valid, row: (row[g], 0)),
    )
    ys = pl.pallas_call(
        _mm_kernel,
        grid_spec=grid_spec,
        out_shape=jax.ShapeDtypeStruct((PADDED, I), jnp.float32),
    )(te, valid, row, xs, We)

    return combine(ys, pos)

# --- scband reference (transcript-rebuilt; emitter-appended) ---
"""Pipeline reference for scband-model-25451976196110 (READ-ONLY COPY).

The authoritative reference and input builder live on the scoring server;
editing this copy changes nothing except your own understanding.
"""

import jax, jax.numpy as jnp
import numpy as np

NUM_EXPERTS = 8
HIDDEN = 1024
INTER = 2048
TOKENS = 2048


def setup_inputs(seed: int = 0) -> dict:
    key = jax.random.key(seed)
    k1, k2, k3 = jax.random.split(key, 3)
    x = jax.random.normal(k1, (TOKENS, HIDDEN), dtype=jnp.float32)
    Wg = jax.random.normal(k2, (NUM_EXPERTS, HIDDEN), dtype=jnp.float32) * 0.02
    We = jax.random.normal(k3, (NUM_EXPERTS, INTER, HIDDEN), dtype=jnp.float32) * 0.02
    return {"x": x, "Wg": Wg, "We": We}


def reference(x, Wg, We):
    # gate: nn.Linear(hidden, num_experts, bias=False)
    gate_scores = x @ Wg.T  # [TOKENS, E]
    expert_idx = jnp.argmax(gate_scores, axis=-1)  # [TOKENS]
    out = jnp.zeros((x.shape[0], We.shape[1]), dtype=x.dtype)
    # top-1 routing: each token is processed by exactly one expert
    for i in range(NUM_EXPERTS):
        mask = expert_idx == i  # [TOKENS]
        expert_out = x @ We[i].T  # [TOKENS, INTER]
        out = jnp.where(mask[:, None], expert_out, out)
    return out

if __name__ == "__main__":
    import jax
    _d = setup_inputs()
    print(jax.jit(kernel)(*tuple(_d.values())))

</pallas_src>

<mosaic_0001>
#map = affine_map<(d0, d1) -> (0, 0)>
#map1 = affine_map<(d0, d1) -> (0)>
module attributes {stable_mosaic.version = 14 : i64} {
  func.func @_combine(%arg0: i32, %arg1: i32, %arg2: memref<4096x2048xf32, #tpu.memory_space<hbm>>, %arg3: memref<2048xi32, #tpu.memory_space<hbm>>, %arg4: memref<2048x2048xf32, #tpu.memory_space<hbm>>, %arg5: memref<16xi32, #tpu.memory_space<vmem>>, %arg6: memref<16xi32, #tpu.memory_space<vmem>>, %arg7: memref<16x2048xf32, #tpu.memory_space<vmem>>, %arg8: memref<16x2048xf32, #tpu.memory_space<vmem>>, %arg9: memref<!tpu.dma_semaphore, #tpu.memory_space<semaphore_mem>>, %arg10: memref<!tpu.dma_semaphore, #tpu.memory_space<semaphore_mem>>, %arg11: memref<!tpu.dma_semaphore, #tpu.memory_space<semaphore_mem>>, %arg12: memref<!tpu.dma_semaphore, #tpu.memory_space<semaphore_mem>>) attributes {dimension_semantics = [#tpu.dimension_semantics<core_parallel>, #tpu.dimension_semantics<subcore_parallel>], iteration_bounds = array<i64: 2, 16>, scalar_prefetch = 0 : i64, scratch_operands = 8 : i64, tpu.core_type = #tpu.core_type<sc_vector_subcore>, window_params = [{transform_indices = #map}, {transform_indices = #map1}, {transform_indices = #map}]} {
    %mul3A = arith.constant 2 : i32
    %mul3A_0 = arith.muli %arg1, %mul3A : i32
    %add3A = arith.addi %mul3A_0, %arg0 : i32
    %mul3A_1 = arith.constant 64 : i32
    %mul3A_2 = arith.muli %add3A, %mul3A_1 : i32
    %add3A_3 = arith.constant 0 : i32
    %add3A_4 = arith.addi %mul3A_2, %add3A_3 : i32
    "tpu.region"() ({
      %run_scoped3A = tpu.sem_alloc : memref<!tpu.dma_semaphore, #tpu.memory_space<semaphore_mem>>
      %dma_start3A_73 = tpu.memref_slice %arg3[%add3A_4] : memref<2048xi32, #tpu.memory_space<hbm>> -> memref<16xi32, #tpu.memory_space<hbm>>
      %dma_start3A_74 = tpu.memref_slice %arg3[%add3A_4] : memref<2048xi32, #tpu.memory_space<hbm>> -> memref<16xi32, #tpu.memory_space<hbm>>
      tpu.enqueue_dma source(%dma_start3A_74 : memref<16xi32, #tpu.memory_space<hbm>>) target(%arg5 : memref<16xi32, #tpu.memory_space<vmem>>) target_semaphore(%run_scoped3A : memref<!tpu.dma_semaphore, #tpu.memory_space<semaphore_mem>>)
      %dma_wait3A_75 = tpu.memref_slice %arg3[%add3A_4] : memref<2048xi32, #tpu.memory_space<hbm>> -> memref<16xi32, #tpu.memory_space<hbm>>
      %dma_wait3A_76 = tpu.memref_slice %arg3[%add3A_4] : memref<2048xi32, #tpu.memory_space<hbm>> -> memref<16xi32, #tpu.memory_space<hbm>>
      tpu.wait_dma2 semaphore(%run_scoped3A : memref<!tpu.dma_semaphore, #tpu.memory_space<semaphore_mem>>) src(%dma_wait3A_76 : memref<16xi32, #tpu.memory_space<hbm>>) dst(%arg5 : memref<16xi32, #tpu.memory_space<vmem>>)
      tpu.yield
    }) : () -> ()
    %dma_start3A = arith.constant 0 : i32
    %dma_start3A_5 = arith.constant 0 : i32
    %dma_start3A_6 = tpu.memref_slice %arg2[%dma_start3A, %dma_start3A_5] : memref<4096x2048xf32, #tpu.memory_space<hbm>> -> memref<4096x2048xf32, #tpu.memory_space<hbm>>
    tpu.enqueue_indirect_dma source(%dma_start3A_6 : memref<4096x2048xf32, #tpu.memory_space<hbm>>) target(%arg7 : memref<16x2048xf32, #tpu.memory_space<vmem>>) offsets(%arg5 : memref<16xi32, #tpu.memory_space<vmem>>) semaphore(%arg9 : memref<!tpu.dma_semaphore, #tpu.memory_space<semaphore_mem>>)
    %add3A_7 = arith.constant 16 : i32
    %add3A_8 = arith.addi %mul3A_2, %add3A_7 : i32
    "tpu.region"() ({
      %run_scoped3A = tpu.sem_alloc : memref<!tpu.dma_semaphore, #tpu.memory_space<semaphore_mem>>
      %dma_start3A_73 = tpu.memref_slice %arg3[%add3A_8] : memref<2048xi32, #tpu.memory_space<hbm>> -> memref<16xi32, #tpu.memory_space<hbm>>
      %dma_start3A_74 = tpu.memref_slice %arg3[%add3A_8] : memref<2048xi32, #tpu.memory_space<hbm>> -> memref<16xi32, #tpu.memory_space<hbm>>
      tpu.enqueue_dma source(%dma_start3A_74 : memref<16xi32, #tpu.memory_space<hbm>>) target(%arg6 : memref<16xi32, #tpu.memory_space<vmem>>) target_semaphore(%run_scoped3A : memref<!tpu.dma_semaphore, #tpu.memory_space<semaphore_mem>>)
      %dma_wait3A_75 = tpu.memref_slice %arg3[%add3A_8] : memref<2048xi32, #tpu.memory_space<hbm>> -> memref<16xi32, #tpu.memory_space<hbm>>
      %dma_wait3A_76 = tpu.memref_slice %arg3[%add3A_8] : memref<2048xi32, #tpu.memory_space<hbm>> -> memref<16xi32, #tpu.memory_space<hbm>>
      tpu.wait_dma2 semaphore(%run_scoped3A : memref<!tpu.dma_semaphore, #tpu.memory_space<semaphore_mem>>) src(%dma_wait3A_76 : memref<16xi32, #tpu.memory_space<hbm>>) dst(%arg6 : memref<16xi32, #tpu.memory_space<vmem>>)
      tpu.yield
    }) : () -> ()
    %dma_start3A_9 = arith.constant 0 : i32
    %dma_start3A_10 = arith.constant 0 : i32
    %dma_start3A_11 = tpu.memref_slice %arg2[%dma_start3A_9, %dma_start3A_10] : memref<4096x2048xf32, #tpu.memory_space<hbm>> -> memref<4096x2048xf32, #tpu.memory_space<hbm>>
    tpu.enqueue_indirect_dma source(%dma_start3A_11 : memref<4096x2048xf32, #tpu.memory_space<hbm>>) target(%arg8 : memref<16x2048xf32, #tpu.memory_space<vmem>>) offsets(%arg6 : memref<16xi32, #tpu.memory_space<vmem>>) semaphore(%arg10 : memref<!tpu.dma_semaphore, #tpu.memory_space<semaphore_mem>>)
    %dma_wait3A = arith.constant 0 : i32
    %dma_wait3A_12 = arith.constant 0 : i32
    %dma_wait3A_13 = tpu.memref_slice %arg2[%dma_wait3A, %dma_wait3A_12] : memref<4096x2048xf32, #tpu.memory_space<hbm>> -> memref<4096x2048xf32, #tpu.memory_space<hbm>>
    tpu.wait_indirect_dma semaphore(%arg9 : memref<!tpu.dma_semaphore, #tpu.memory_space<semaphore_mem>>) src(%dma_wait3A_13 : memref<4096x2048xf32, #tpu.memory_space<hbm>>) dst(%arg7 : memref<16x2048xf32, #tpu.memory_space<vmem>>)
    %add3A_14 = arith.constant 0 : i32
    %add3A_15 = arith.addi %mul3A_2, %add3A_14 : i32
    %dma_start3A_16 = arith.constant 0 : i32
    %dma_start3A_17 = tpu.memref_slice %arg4[%add3A_15, %dma_start3A_16] : memref<2048x2048xf32, #tpu.memory_space<hbm>> -> memref<16x2048xf32, #tpu.memory_space<hbm>>
    %dma_start3A_18 = arith.constant 0 : i32
    %dma_start3A_19 = tpu.memref_slice %arg4[%add3A_15, %dma_start3A_18] : memref<2048x2048xf32, #tpu.memory_space<hbm>> -> memref<16x2048xf32, #tpu.memory_space<hbm>>
    tpu.enqueue_dma source(%arg7 : memref<16x2048xf32, #tpu.memory_space<vmem>>) target(%dma_start3A_19 : memref<16x2048xf32, #tpu.memory_space<hbm>>) target_semaphore(%arg11 : memref<!tpu.dma_semaphore, #tpu.memory_space<semaphore_mem>>)
    %dma_wait3A_20 = arith.constant 0 : i32
    %dma_wait3A_21 = tpu.memref_slice %arg4[%add3A_15, %dma_wait3A_20] : memref<2048x2048xf32, #tpu.memory_space<hbm>> -> memref<16x2048xf32, #tpu.memory_space<hbm>>
    %dma_wait3A_22 = arith.constant 0 : i32
    %dma_wait3A_23 = tpu.memref_slice %arg4[%add3A_15, %dma_wait3A_22] : memref<2048x2048xf32, #tpu.memory_space<hbm>> -> memref<16x2048xf32, #tpu.memory_space<hbm>>
    tpu.wait_dma2 semaphore(%arg11 : memref<!tpu.dma_semaphore, #tpu.memory_space<semaphore_mem>>) src(%arg7 : memref<16x2048xf32, #tpu.memory_space<vmem>>) dst(%dma_wait3A_23 : memref<16x2048xf32, #tpu.memory_space<hbm>>)
    %add3A_24 = arith.constant 32 : i32
    %add3A_25 = arith.addi %mul3A_2, %add3A_24 : i32
    "tpu.region"() ({
      %run_scoped3A = tpu.sem_alloc : memref<!tpu.dma_semaphore, #tpu.memory_space<semaphore_mem>>
      %dma_start3A_73 = tpu.memref_slice %arg3[%add3A_25] : memref<2048xi32, #tpu.memory_space<hbm>> -> memref<16xi32, #tpu.memory_space<hbm>>
      %dma_start3A_74 = tpu.memref_slice %arg3[%add3A_25] : memref<2048xi32, #tpu.memory_space<hbm>> -> memref<16xi32, #tpu.memory_space<hbm>>
      tpu.enqueue_dma source(%dma_start3A_74 : memref<16xi32, #tpu.memory_space<hbm>>) target(%arg5 : memref<16xi32, #tpu.memory_space<vmem>>) target_semaphore(%run_scoped3A : memref<!tpu.dma_semaphore, #tpu.memory_space<semaphore_mem>>)
      %dma_wait3A_75 = tpu.memref_slice %arg3[%add3A_25] : memref<2048xi32, #tpu.memory_space<hbm>> -> memref<16xi32, #tpu.memory_space<hbm>>
      %dma_wait3A_76 = tpu.memref_slice %arg3[%add3A_25] : memref<2048xi32, #tpu.memory_space<hbm>> -> memref<16xi32, #tpu.memory_space<hbm>>
      tpu.wait_dma2 semaphore(%run_scoped3A : memref<!tpu.dma_semaphore, #tpu.memory_space<semaphore_mem>>) src(%dma_wait3A_76 : memref<16xi32, #tpu.memory_space<hbm>>) dst(%arg5 : memref<16xi32, #tpu.memory_space<vmem>>)
      tpu.yield
    }) : () -> ()
    %dma_start3A_26 = arith.constant 0 : i32
    %dma_start3A_27 = arith.constant 0 : i32
    %dma_start3A_28 = tpu.memref_slice %arg2[%dma_start3A_26, %dma_start3A_27] : memref<4096x2048xf32, #tpu.memory_space<hbm>> -> memref<4096x2048xf32, #tpu.memory_space<hbm>>
    tpu.enqueue_indirect_dma source(%dma_start3A_28 : memref<4096x2048xf32, #tpu.memory_space<hbm>>) target(%arg7 : memref<16x2048xf32, #tpu.memory_space<vmem>>) offsets(%arg5 : memref<16xi32, #tpu.memory_space<vmem>>) semaphore(%arg9 : memref<!tpu.dma_semaphore, #tpu.memory_space<semaphore_mem>>)
    %dma_wait3A_29 = arith.constant 0 : i32
    %dma_wait3A_30 = arith.constant 0 : i32
    %dma_wait3A_31 = tpu.memref_slice %arg2[%dma_wait3A_29, %dma_wait3A_30] : memref<4096x2048xf32, #tpu.memory_space<hbm>> -> memref<4096x2048xf32, #tpu.memory_space<hbm>>
    tpu.wait_indirect_dma semaphore(%arg10 : memref<!tpu.dma_semaphore, #tpu.memory_space<semaphore_mem>>) src(%dma_wait3A_31 : memref<4096x2048xf32, #tpu.memory_space<hbm>>) dst(%arg8 : memref<16x2048xf32, #tpu.memory_space<vmem>>)
    %add3A_32 = arith.constant 16 : i32
    %add3A_33 = arith.addi %mul3A_2, %add3A_32 : i32
    %dma_start3A_34 = arith.constant 0 : i32
    %dma_start3A_35 = tpu.memref_slice %arg4[%add3A_33, %dma_start3A_34] : memref<2048x2048xf32, #tpu.memory_space<hbm>> -> memref<16x2048xf32, #tpu.memory_space<hbm>>
    %dma_start3A_36 = arith.constant 0 : i32
    %dma_start3A_37 = tpu.memref_slice %arg4[%add3A_33, %dma_start3A_36] : memref<2048x2048xf32, #tpu.memory_space<hbm>> -> memref<16x2048xf32, #tpu.memory_space<hbm>>
    tpu.enqueue_dma source(%arg8 : memref<16x2048xf32, #tpu.memory_space<vmem>>) target(%dma_start3A_37 : memref<16x2048xf32, #tpu.memory_space<hbm>>) target_semaphore(%arg12 : memref<!tpu.dma_semaphore, #tpu.memory_space<semaphore_mem>>)
    %dma_wait3A_38 = arith.constant 0 : i32
    %dma_wait3A_39 = tpu.memref_slice %arg4[%add3A_33, %dma_wait3A_38] : memref<2048x2048xf32, #tpu.memory_space<hbm>> -> memref<16x2048xf32, #tpu.memory_space<hbm>>
    %dma_wait3A_40 = arith.constant 0 : i32
    %dma_wait3A_41 = tpu.memref_slice %arg4[%add3A_33, %dma_wait3A_40] : memref<2048x2048xf32, #tpu.memory_space<hbm>> -> memref<16x2048xf32, #tpu.memory_space<hbm>>
    tpu.wait_dma2 semaphore(%arg12 : memref<!tpu.dma_semaphore, #tpu.memory_space<semaphore_mem>>) src(%arg8 : memref<16x2048xf32, #tpu.memory_space<vmem>>) dst(%dma_wait3A_41 : memref<16x2048xf32, #tpu.memory_space<hbm>>)
    %add3A_42 = arith.constant 48 : i32
    %add3A_43 = arith.addi %mul3A_2, %add3A_42 : i32
    "tpu.region"() ({
      %run_scoped3A = tpu.sem_alloc : memref<!tpu.dma_semaphore, #tpu.memory_space<semaphore_mem>>
      %dma_start3A_73 = tpu.memref_slice %arg3[%add3A_43] : memref<2048xi32, #tpu.memory_space<hbm>> -> memref<16xi32, #tpu.memory_space<hbm>>
      %dma_start3A_74 = tpu.memref_slice %arg3[%add3A_43] : memref<2048xi32, #tpu.memory_space<hbm>> -> memref<16xi32, #tpu.memory_space<hbm>>
      tpu.enqueue_dma source(%dma_start3A_74 : memref<16xi32, #tpu.memory_space<hbm>>) target(%arg6 : memref<16xi32, #tpu.memory_space<vmem>>) target_semaphore(%run_scoped3A : memref<!tpu.dma_semaphore, #tpu.memory_space<semaphore_mem>>)
      %dma_wait3A_75 = tpu.memref_slice %arg3[%add3A_43] : memref<2048xi32, #tpu.memory_space<hbm>> -> memref<16xi32, #tpu.memory_space<hbm>>
      %dma_wait3A_76 = tpu.memref_slice %arg3[%add3A_43] : memref<2048xi32, #tpu.memory_space<hbm>> -> memref<16xi32, #tpu.memory_space<hbm>>
      tpu.wait_dma2 semaphore(%run_scoped3A : memref<!tpu.dma_semaphore, #tpu.memory_space<semaphore_mem>>) src(%dma_wait3A_76 : memref<16xi32, #tpu.memory_space<hbm>>) dst(%arg6 : memref<16xi32, #tpu.memory_space<vmem>>)
      tpu.yield
    }) : () -> ()
    %dma_start3A_44 = arith.constant 0 : i32
    %dma_start3A_45 = arith.constant 0 : i32
    %dma_start3A_46 = tpu.memref_slice %arg2[%dma_start3A_44, %dma_start3A_45] : memref<4096x2048xf32, #tpu.memory_space<hbm>> -> memref<4096x2048xf32, #tpu.memory_space<hbm>>
    tpu.enqueue_indirect_dma source(%dma_start3A_46 : memref<4096x2048xf32, #tpu.memory_space<hbm>>) target(%arg8 : memref<16x2048xf32, #tpu.memory_space<vmem>>) offsets(%arg6 : memref<16xi32, #tpu.memory_space<vmem>>) semaphore(%arg10 : memref<!tpu.dma_semaphore, #tpu.memory_space<semaphore_mem>>)
    %dma_wait3A_47 = arith.constant 0 : i32
    %dma_wait3A_48 = arith.constant 0 : i32
    %dma_wait3A_49 = tpu.memref_slice %arg2[%dma_wait3A_47, %dma_wait3A_48] : memref<4096x2048xf32, #tpu.memory_space<hbm>> -> memref<4096x2048xf32, #tpu.memory_space<hbm>>
    tpu.wait_indirect_dma semaphore(%arg9 : memref<!tpu.dma_semaphore, #tpu.memory_space<semaphore_mem>>) src(%dma_wait3A_49 : memref<4096x2048xf32, #tpu.memory_space<hbm>>) dst(%arg7 : memref<16x2048xf32, #tpu.memory_space<vmem>>)
    %add3A_50 = arith.constant 32 : i32
    %add3A_51 = arith.addi %mul3A_2, %add3A_50 : i32
    %dma_start3A_52 = arith.constant 0 : i32
    %dma_start3A_53 = tpu.memref_slice %arg4[%add3A_51, %dma_start3A_52] : memref<2048x2048xf32, #tpu.memory_space<hbm>> -> memref<16x2048xf32, #tpu.memory_space<hbm>>
    %dma_start3A_54 = arith.constant 0 : i32
    %dma_start3A_55 = tpu.memref_slice %arg4[%add3A_51, %dma_start3A_54] : memref<2048x2048xf32, #tpu.memory_space<hbm>> -> memref<16x2048xf32, #tpu.memory_space<hbm>>
    tpu.enqueue_dma source(%arg7 : memref<16x2048xf32, #tpu.memory_space<vmem>>) target(%dma_start3A_55 : memref<16x2048xf32, #tpu.memory_space<hbm>>) target_semaphore(%arg11 : memref<!tpu.dma_semaphore, #tpu.memory_space<semaphore_mem>>)
    %dma_wait3A_56 = arith.constant 0 : i32
    %dma_wait3A_57 = arith.constant 0 : i32
    %dma_wait3A_58 = tpu.memref_slice %arg2[%dma_wait3A_56, %dma_wait3A_57] : memref<4096x2048xf32, #tpu.memory_space<hbm>> -> memref<4096x2048xf32, #tpu.memory_space<hbm>>
    tpu.wait_indirect_dma semaphore(%arg10 : memref<!tpu.dma_semaphore, #tpu.memory_space<semaphore_mem>>) src(%dma_wait3A_58 : memref<4096x2048xf32, #tpu.memory_space<hbm>>) dst(%arg8 : memref<16x2048xf32, #tpu.memory_space<vmem>>)
    %add3A_59 = arith.constant 48 : i32
    %add3A_60 = arith.addi %mul3A_2, %add3A_59 : i32
    %dma_start3A_61 = arith.constant 0 : i32
    %dma_start3A_62 = tpu.memref_slice %arg4[%add3A_60, %dma_start3A_61] : memref<2048x2048xf32, #tpu.memory_space<hbm>> -> memref<16x2048xf32, #tpu.memory_space<hbm>>
    %dma_start3A_63 = arith.constant 0 : i32
    %dma_start3A_64 = tpu.memref_slice %arg4[%add3A_60, %dma_start3A_63] : memref<2048x2048xf32, #tpu.memory_space<hbm>> -> memref<16x2048xf32, #tpu.memory_space<hbm>>
    tpu.enqueue_dma source(%arg8 : memref<16x2048xf32, #tpu.memory_space<vmem>>) target(%dma_start3A_64 : memref<16x2048xf32, #tpu.memory_space<hbm>>) target_semaphore(%arg12 : memref<!tpu.dma_semaphore, #tpu.memory_space<semaphore_mem>>)
    %dma_wait3A_65 = arith.constant 0 : i32
    %dma_wait3A_66 = tpu.memref_slice %arg4[%add3A_51, %dma_wait3A_65] : memref<2048x2048xf32, #tpu.memory_space<hbm>> -> memref<16x2048xf32, #tpu.memory_space<hbm>>
    %dma_wait3A_67 = arith.constant 0 : i32
    %dma_wait3A_68 = tpu.memref_slice %arg4[%add3A_51, %dma_wait3A_67] : memref<2048x2048xf32, #tpu.memory_space<hbm>> -> memref<16x2048xf32, #tpu.memory_space<hbm>>
    tpu.wait_dma2 semaphore(%arg11 : memref<!tpu.dma_semaphore, #tpu.memory_space<semaphore_mem>>) src(%arg7 : memref<16x2048xf32, #tpu.memory_space<vmem>>) dst(%dma_wait3A_68 : memref<16x2048xf32, #tpu.memory_space<hbm>>)
    %dma_wait3A_69 = arith.constant 0 : i32
    %dma_wait3A_70 = tpu.memref_slice %arg4[%add3A_60, %dma_wait3A_69] : memref<2048x2048xf32, #tpu.memory_space<hbm>> -> memref<16x2048xf32, #tpu.memory_space<hbm>>
    %dma_wait3A_71 = arith.constant 0 : i32
    %dma_wait3A_72 = tpu.memref_slice %arg4[%add3A_60, %dma_wait3A_71] : memref<2048x2048xf32, #tpu.memory_space<hbm>> -> memref<16x2048xf32, #tpu.memory_space<hbm>>
    tpu.wait_dma2 semaphore(%arg12 : memref<!tpu.dma_semaphore, #tpu.memory_space<semaphore_mem>>) src(%arg8 : memref<16x2048xf32, #tpu.memory_space<vmem>>) dst(%dma_wait3A_72 : memref<16x2048xf32, #tpu.memory_space<hbm>>)
    return
  }
}

#map = affine_map<(d0, d1) -> (0, 0)>
#map1 = affine_map<(d0, d1) -> (0)>
module attributes {stable_mosaic.version = 14 : i64} {
  func.func @_dispatch(%arg0: i32, %arg1: i32, %arg2: memref<2048x1024xf32, #tpu.memory_space<hbm>>, %arg3: memref<2048xi32, #tpu.memory_space<hbm>>, %arg4: memref<4096x1024xf32, #tpu.memory_space<hbm>>, %arg5: memref<2x32xi32, #tpu.memory_space<vmem>>, %arg6: memref<32x1024xf32, #tpu.memory_space<vmem>>, %arg7: memref<32x1024xf32, #tpu.memory_space<vmem>>, %arg8: memref<!tpu.dma_semaphore, #tpu.memory_space<semaphore_mem>>, %arg9: memref<!tpu.dma_semaphore, #tpu.memory_space<semaphore_mem>>, %arg10: memref<!tpu.dma_semaphore, #tpu.memory_space<semaphore_mem>>, %arg11: memref<!tpu.dma_semaphore, #tpu.memory_space<semaphore_mem>>) attributes {dimension_semantics = [#tpu.dimension_semantics<core_parallel>, #tpu.dimension_semantics<subcore_parallel>], iteration_bounds = array<i64: 2, 16>, scalar_prefetch = 0 : i64, scratch_operands = 7 : i64, tpu.core_type = #tpu.core_type<sc_vector_subcore>, window_params = [{transform_indices = #map}, {transform_indices = #map1}, {transform_indices = #map}]} {
    %mul3A = arith.constant 2 : i32
    %mul3A_0 = arith.muli %arg1, %mul3A : i32
    %add3A = arith.addi %mul3A_0, %arg0 : i32
    %mul3A_1 = arith.constant 64 : i32
    %mul3A_2 = arith.muli %add3A, %mul3A_1 : i32
    %run_scoped3A = arith.constant 0 : i32
    "tpu.region"() ({
      %run_scoped3A_50 = tpu.sem_alloc : memref<!tpu.dma_semaphore, #tpu.memory_space<semaphore_mem>>
      %dma_start3A_51 = arith.constant 0 : i32
      %dma_start3A_52 = tpu.memref_slice %arg5[%run_scoped3A, %dma_start3A_51] : memref<2x32xi32, #tpu.memory_space<vmem>> -> memref<1x32xi32, #tpu.memory_space<vmem>>
      %dma_start3A_53 = tpu.memref_squeeze %dma_start3A_52 : memref<1x32xi32, #tpu.memory_space<vmem>> -> memref<32xi32, #tpu.memory_space<vmem>>
      %dma_start3A_54 = tpu.memref_slice %arg3[%mul3A_2] : memref<2048xi32, #tpu.memory_space<hbm>> -> memref<32xi32, #tpu.memory_space<hbm>>
      %dma_start3A_55 = arith.constant 0 : i32
      %dma_start3A_56 = tpu.memref_slice %arg5[%run_scoped3A, %dma_start3A_55] : memref<2x32xi32, #tpu.memory_space<vmem>> -> memref<1x32xi32, #tpu.memory_space<vmem>>
      %dma_start3A_57 = tpu.memref_squeeze %dma_start3A_56 : memref<1x32xi32, #tpu.memory_space<vmem>> -> memref<32xi32, #tpu.memory_space<vmem>>
      %dma_start3A_58 = tpu.memref_slice %arg3[%mul3A_2] : memref<2048xi32, #tpu.memory_space<hbm>> -> memref<32xi32, #tpu.memory_space<hbm>>
      tpu.enqueue_dma source(%dma_start3A_58 : memref<32xi32, #tpu.memory_space<hbm>>) target(%dma_start3A_57 : memref<32xi32, #tpu.memory_space<vmem>>) target_semaphore(%run_scoped3A_50 : memref<!tpu.dma_semaphore, #tpu.memory_space<semaphore_mem>>)
      %dma_wait3A_59 = arith.constant 0 : i32
      %dma_wait3A_60 = tpu.memref_slice %arg5[%run_scoped3A, %dma_wait3A_59] : memref<2x32xi32, #tpu.memory_space<vmem>> -> memref<1x32xi32, #tpu.memory_space<vmem>>
      %dma_wait3A_61 = tpu.memref_squeeze %dma_wait3A_60 : memref<1x32xi32, #tpu.memory_space<vmem>> -> memref<32xi32, #tpu.memory_space<vmem>>
      %dma_wait3A_62 = tpu.memref_slice %arg3[%mul3A_2] : memref<2048xi32, #tpu.memory_space<hbm>> -> memref<32xi32, #tpu.memory_space<hbm>>
      %dma_wait3A_63 = arith.constant 0 : i32
      %dma_wait3A_64 = tpu.memref_slice %arg5[%run_scoped3A, %dma_wait3A_63] : memref<2x32xi32, #tpu.memory_space<vmem>> -> memref<1x32xi32, #tpu.memory_space<vmem>>
      %dma_wait3A_65 = tpu.memref_squeeze %dma_wait3A_64 : memref<1x32xi32, #tpu.memory_space<vmem>> -> memref<32xi32, #tpu.memory_space<vmem>>
      %dma_wait3A_66 = tpu.memref_slice %arg3[%mul3A_2] : memref<2048xi32, #tpu.memory_space<hbm>> -> memref<32xi32, #tpu.memory_space<hbm>>
      tpu.wait_dma2 semaphore(%run_scoped3A_50 : memref<!tpu.dma_semaphore, #tpu.memory_space<semaphore_mem>>) src(%dma_wait3A_66 : memref<32xi32, #tpu.memory_space<hbm>>) dst(%dma_wait3A_65 : memref<32xi32, #tpu.memory_space<vmem>>)
      tpu.yield
    }) : () -> ()
    %add3A_3 = arith.constant 32 : i32
    %add3A_4 = arith.addi %mul3A_2, %add3A_3 : i32
    %run_scoped3A_5 = arith.constant 1 : i32
    "tpu.region"() ({
      %run_scoped3A_50 = tpu.sem_alloc : memref<!tpu.dma_semaphore, #tpu.memory_space<semaphore_mem>>
      %dma_start3A_51 = arith.constant 0 : i32
      %dma_start3A_52 = tpu.memref_slice %arg5[%run_scoped3A_5, %dma_start3A_51] : memref<2x32xi32, #tpu.memory_space<vmem>> -> memref<1x32xi32, #tpu.memory_space<vmem>>
      %dma_start3A_53 = tpu.memref_squeeze %dma_start3A_52 : memref<1x32xi32, #tpu.memory_space<vmem>> -> memref<32xi32, #tpu.memory_space<vmem>>
      %dma_start3A_54 = tpu.memref_slice %arg3[%add3A_4] : memref<2048xi32, #tpu.memory_space<hbm>> -> memref<32xi32, #tpu.memory_space<hbm>>
      %dma_start3A_55 = arith.constant 0 : i32
      %dma_start3A_56 = tpu.memref_slice %arg5[%run_scoped3A_5, %dma_start3A_55] : memref<2x32xi32, #tpu.memory_space<vmem>> -> memref<1x32xi32, #tpu.memory_space<vmem>>
      %dma_start3A_57 = tpu.memref_squeeze %dma_start3A_56 : memref<1x32xi32, #tpu.memory_space<vmem>> -> memref<32xi32, #tpu.memory_space<vmem>>
      %dma_start3A_58 = tpu.memref_slice %arg3[%add3A_4] : memref<2048xi32, #tpu.memory_space<hbm>> -> memref<32xi32, #tpu.memory_space<hbm>>
      tpu.enqueue_dma source(%dma_start3A_58 : memref<32xi32, #tpu.memory_space<hbm>>) target(%dma_start3A_57 : memref<32xi32, #tpu.memory_space<vmem>>) target_semaphore(%run_scoped3A_50 : memref<!tpu.dma_semaphore, #tpu.memory_space<semaphore_mem>>)
      %dma_wait3A_59 = arith.constant 0 : i32
      %dma_wait3A_60 = tpu.memref_slice %arg5[%run_scoped3A_5, %dma_wait3A_59] : memref<2x32xi32, #tpu.memory_space<vmem>> -> memref<1x32xi32, #tpu.memory_space<vmem>>
      %dma_wait3A_61 = tpu.memref_squeeze %dma_wait3A_60 : memref<1x32xi32, #tpu.memory_space<vmem>> -> memref<32xi32, #tpu.memory_space<vmem>>
      %dma_wait3A_62 = tpu.memref_slice %arg3[%add3A_4] : memref<2048xi32, #tpu.memory_space<hbm>> -> memref<32xi32, #tpu.memory_space<hbm>>
      %dma_wait3A_63 = arith.constant 0 : i32
      %dma_wait3A_64 = tpu.memref_slice %arg5[%run_scoped3A_5, %dma_wait3A_63] : memref<2x32xi32, #tpu.memory_space<vmem>> -> memref<1x32xi32, #tpu.memory_space<vmem>>
      %dma_wait3A_65 = tpu.memref_squeeze %dma_wait3A_64 : memref<1x32xi32, #tpu.memory_space<vmem>> -> memref<32xi32, #tpu.memory_space<vmem>>
      %dma_wait3A_66 = tpu.memref_slice %arg3[%add3A_4] : memref<2048xi32, #tpu.memory_space<hbm>> -> memref<32xi32, #tpu.memory_space<hbm>>
      tpu.wait_dma2 semaphore(%run_scoped3A_50 : memref<!tpu.dma_semaphore, #tpu.memory_space<semaphore_mem>>) src(%dma_wait3A_66 : memref<32xi32, #tpu.memory_space<hbm>>) dst(%dma_wait3A_65 : memref<32xi32, #tpu.memory_space<vmem>>)
      tpu.yield
    }) : () -> ()
    %dma_start3A = arith.constant 0 : i32
    %dma_start3A_6 = tpu.memref_slice %arg2[%mul3A_2, %dma_start3A] : memref<2048x1024xf32, #tpu.memory_space<hbm>> -> memref<32x1024xf32, #tpu.memory_space<hbm>>
    %dma_start3A_7 = arith.constant 0 : i32
    %dma_start3A_8 = tpu.memref_slice %arg2[%mul3A_2, %dma_start3A_7] : memref<2048x1024xf32, #tpu.memory_space<hbm>> -> memref<32x1024xf32, #tpu.memory_space<hbm>>
    tpu.enqueue_dma source(%dma_start3A_8 : memref<32x1024xf32, #tpu.memory_space<hbm>>) target(%arg6 : memref<32x1024xf32, #tpu.memory_space<vmem>>) target_semaphore(%arg8 : memref<!tpu.dma_semaphore, #tpu.memory_space<semaphore_mem>>)
    %add3A_9 = arith.constant 32 : i32
    %add3A_10 = arith.addi %mul3A_2, %add3A_9 : i32
    %dma_start3A_11 = arith.constant 0 : i32
    %dma_start3A_12 = tpu.memref_slice %arg2[%add3A_10, %dma_start3A_11] : memref<2048x1024xf32, #tpu.memory_space<hbm>> -> memref<32x1024xf32, #tpu.memory_space<hbm>>
    %dma_start3A_13 = arith.constant 0 : i32
    %dma_start3A_14 = tpu.memref_slice %arg2[%add3A_10, %dma_start3A_13] : memref<2048x1024xf32, #tpu.memory_space<hbm>> -> memref<32x1024xf32, #tpu.memory_space<hbm>>
    tpu.enqueue_dma source(%dma_start3A_14 : memref<32x1024xf32, #tpu.memory_space<hbm>>) target(%arg7 : memref<32x1024xf32, #tpu.memory_space<vmem>>) target_semaphore(%arg9 : memref<!tpu.dma_semaphore, #tpu.memory_space<semaphore_mem>>)
    %dma_wait3A = arith.constant 0 : i32
    %dma_wait3A_15 = tpu.memref_slice %arg2[%mul3A_2, %dma_wait3A] : memref<2048x1024xf32, #tpu.memory_space<hbm>> -> memref<32x1024xf32, #tpu.memory_space<hbm>>
    %dma_wait3A_16 = arith.constant 0 : i32
    %dma_wait3A_17 = tpu.memref_slice %arg2[%mul3A_2, %dma_wait3A_16] : memref<2048x1024xf32, #tpu.memory_space<hbm>> -> memref<32x1024xf32, #tpu.memory_space<hbm>>
    tpu.wait_dma2 semaphore(%arg8 : memref<!tpu.dma_semaphore, #tpu.memory_space<semaphore_mem>>) src(%dma_wait3A_17 : memref<32x1024xf32, #tpu.memory_space<hbm>>) dst(%arg6 : memref<32x1024xf32, #tpu.memory_space<vmem>>)
    %dma_start3A_18 = arith.constant 0 : i32
    %dma_start3A_19 = arith.constant 0 : i32
    %dma_start3A_20 = tpu.memref_slice %arg5[%dma_start3A_18, %dma_start3A_19] : memref<2x32xi32, #tpu.memory_space<vmem>> -> memref<1x32xi32, #tpu.memory_space<vmem>>
    %dma_start3A_21 = tpu.memref_squeeze %dma_start3A_20 : memref<1x32xi32, #tpu.memory_space<vmem>> -> memref<32xi32, #tpu.memory_space<vmem>>
    %dma_start3A_22 = arith.constant 0 : i32
    %dma_start3A_23 = arith.constant 0 : i32
    %dma_start3A_24 = tpu.memref_slice %arg4[%dma_start3A_22, %dma_start3A_23] : memref<4096x1024xf32, #tpu.memory_space<hbm>> -> memref<4096x1024xf32, #tpu.memory_space<hbm>>
    tpu.enqueue_indirect_dma source(%arg6 : memref<32x1024xf32, #tpu.memory_space<vmem>>) target(%dma_start3A_24 : memref<4096x1024xf32, #tpu.memory_space<hbm>>) offsets(%dma_start3A_21 : memref<32xi32, #tpu.memory_space<vmem>>) semaphore(%arg10 : memref<!tpu.dma_semaphore, #tpu.memory_space<semaphore_mem>>)
    %dma_wait3A_25 = arith.constant 0 : i32
    %dma_wait3A_26 = tpu.memref_slice %arg2[%add3A_10, %dma_wait3A_25] : memref<2048x1024xf32, #tpu.memory_space<hbm>> -> memref<32x1024xf32, #tpu.memory_space<hbm>>
    %dma_wait3A_27 = arith.constant 0 : i32
    %dma_wait3A_28 = tpu.memref_slice %arg2[%add3A_10, %dma_wait3A_27] : memref<2048x1024xf32, #tpu.memory_space<hbm>> -> memref<32x1024xf32, #tpu.memory_space<hbm>>
    tpu.wait_dma2 semaphore(%arg9 : memref<!tpu.dma_semaphore, #tpu.memory_space<semaphore_mem>>) src(%dma_wait3A_28 : memref<32x1024xf32, #tpu.memory_space<hbm>>) dst(%arg7 : memref<32x1024xf32, #tpu.memory_space<vmem>>)
    %dma_start3A_29 = arith.constant 1 : i32
    %dma_start3A_30 = arith.constant 0 : i32
    %dma_start3A_31 = tpu.memref_slice %arg5[%dma_start3A_29, %dma_start3A_30] : memref<2x32xi32, #tpu.memory_space<vmem>> -> memref<1x32xi32, #tpu.memory_space<vmem>>
    %dma_start3A_32 = tpu.memref_squeeze %dma_start3A_31 : memref<1x32xi32, #tpu.memory_space<vmem>> -> memref<32xi32, #tpu.memory_space<vmem>>
    %dma_start3A_33 = arith.constant 0 : i32
    %dma_start3A_34 = arith.constant 0 : i32
    %dma_start3A_35 = tpu.memref_slice %arg4[%dma_start3A_33, %dma_start3A_34] : memref<4096x1024xf32, #tpu.memory_space<hbm>> -> memref<4096x1024xf32, #tpu.memory_space<hbm>>
    tpu.enqueue_indirect_dma source(%arg7 : memref<32x1024xf32, #tpu.memory_space<vmem>>) target(%dma_start3A_35 : memref<4096x1024xf32, #tpu.memory_space<hbm>>) offsets(%dma_start3A_32 : memref<32xi32, #tpu.memory_space<vmem>>) semaphore(%arg11 : memref<!tpu.dma_semaphore, #tpu.memory_space<semaphore_mem>>)
    %dma_wait3A_36 = arith.constant 0 : i32
    %dma_wait3A_37 = arith.constant 0 : i32
    %dma_wait3A_38 = tpu.memref_slice %arg5[%dma_wait3A_36, %dma_wait3A_37] : memref<2x32xi32, #tpu.memory_space<vmem>> -> memref<1x32xi32, #tpu.memory_space<vmem>>
    %dma_wait3A_39 = tpu.memref_squeeze %dma_wait3A_38 : memref<1x32xi32, #tpu.memory_space<vmem>> -> memref<32xi32, #tpu.memory_space<vmem>>
    %dma_wait3A_40 = arith.constant 0 : i32
    %dma_wait3A_41 = arith.constant 0 : i32
    %dma_wait3A_42 = tpu.memref_slice %arg4[%dma_wait3A_40, %dma_wait3A_41] : memref<4096x1024xf32, #tpu.memory_space<hbm>> -> memref<4096x1024xf32, #tpu.memory_space<hbm>>
    tpu.wait_indirect_dma semaphore(%arg10 : memref<!tpu.dma_semaphore, #tpu.memory_space<semaphore_mem>>) src(%arg6 : memref<32x1024xf32, #tpu.memory_space<vmem>>) dst(%dma_wait3A_42 : memref<4096x1024xf32, #tpu.memory_space<hbm>>)
    %dma_wait3A_43 = arith.constant 1 : i32
    %dma_wait3A_44 = arith.constant 0 : i32
    %dma_wait3A_45 = tpu.memref_slice %arg5[%dma_wait3A_43, %dma_wait3A_44] : memref<2x32xi32, #tpu.memory_space<vmem>> -> memref<1x32xi32, #tpu.memory_space<vmem>>
    %dma_wait3A_46 = tpu.memref_squeeze %dma_wait3A_45 : memref<1x32xi32, #tpu.memory_space<vmem>> -> memref<32xi32, #tpu.memory_space<vmem>>
    %dma_wait3A_47 = arith.constant 0 : i32
    %dma_wait3A_48 = arith.constant 0 : i32
    %dma_wait3A_49 = tpu.memref_slice %arg4[%dma_wait3A_47, %dma_wait3A_48] : memref<4096x1024xf32, #tpu.memory_space<hbm>> -> memref<4096x1024xf32, #tpu.memory_space<hbm>>
    tpu.wait_indirect_dma semaphore(%arg11 : memref<!tpu.dma_semaphore, #tpu.memory_space<semaphore_mem>>) src(%arg7 : memref<32x1024xf32, #tpu.memory_space<vmem>>) dst(%dma_wait3A_49 : memref<4096x1024xf32, #tpu.memory_space<hbm>>)
    return
  }
}

module attributes {stable_mosaic.version = 14 : i64} {
  func.func @_route_kernel(%arg0: memref<2048x1024xf32, #tpu.memory_space<vmem>>, %arg1: memref<8x1024xf32, #tpu.memory_space<vmem>>, %arg2: memref<1x2048xi32, #tpu.memory_space<vmem>>, %arg3: memref<1x16xi32, #tpu.memory_space<vmem>>, %arg4: memref<1x16xi32, #tpu.memory_space<vmem>>, %arg5: memref<1x16xi32, #tpu.memory_space<vmem>>) attributes {dimension_semantics = [], scalar_prefetch = 0 : i64, scratch_operands = 0 : i64, tpu.core_type = #tpu.core_type<tc>} {
    %get3A = arith.constant 0 : index
    %get3A_0 = arith.constant 0 : index
    %get3A_1 = vector.load %arg0[%get3A, %get3A_0] : memref<2048x1024xf32, #tpu.memory_space<vmem>>, vector<2048x1024xf32>
    %get3A_2 = arith.constant 0 : index
    %get3A_3 = arith.constant 0 : index
    %get3A_4 = vector.load %arg1[%get3A_2, %get3A_3] : memref<8x1024xf32, #tpu.memory_space<vmem>>, vector<8x1024xf32>
    %dot_general3A = arith.constant dense<0.000000e+00> : vector<8x2048xf32>
    %dot_general3A_5 = tpu.matmul %get3A_4, %get3A_1, %dot_general3A {dimension_numbers = #tpu.dot_dimension_numbers<[1], [1], [0], [0], [0, 0, 1, 0], [], []>, transpose_lhs_hint = false} : vector<8x1024xf32>, vector<2048x1024xf32>, vector<8x2048xf32> -> vector<8x2048xf32>
    %iota3A = tpu.iota {dimensions = array<i32: 0>} : vector<8x2048xi32>
    %reduce_max3A = arith.constant dense<0xFF800000> : vector<2048xf32>
    %reduce_max3A_6 = vector.multi_reduction <maximumf>, %dot_general3A_5, %reduce_max3A [0] : vector<8x2048xf32> to vector<2048xf32>
    %broadcast_in_dim3A = vector.shape_cast %reduce_max3A_6 : vector<2048xf32> to vector<1x2048xf32>
    %eq3A = vector.broadcast %broadcast_in_dim3A : vector<1x2048xf32> to vector<8x2048xf32>
    %eq3A_7 = arith.cmpf oeq, %dot_general3A_5, %eq3A : vector<8x2048xf32>
    %jit3A = arith.constant 8 : i32
    %broadcast_in_dim3A_8 = vector.broadcast %jit3A : i32 to vector<8x2048xi32>
    %select_n3A = arith.select %eq3A_7, %iota3A, %broadcast_in_dim3A_8 : vector<8x2048xi1>, vector<8x2048xi32>
    %reduce_min3A = arith.constant dense<2147483647> : vector<2048xi32>
    %reduce_min3A_9 = vector.multi_reduction <minsi>, %select_n3A, %reduce_min3A [0] : vector<8x2048xi32> to vector<2048xi32>
    %broadcast_in_dim3A_10 = vector.shape_cast %reduce_min3A_9 : vector<2048xi32> to vector<1x2048xi32>
    %eq3A_11 = vector.broadcast %broadcast_in_dim3A_10 : vector<1x2048xi32> to vector<8x2048xi32>
    %eq3A_12 = arith.cmpi eq, %iota3A, %eq3A_11 : vector<8x2048xi32>
    %convert_element_type3A = arith.extui %eq3A_12 : vector<8x2048xi1> to vector<8x2048xi32>
    %convert_element_type3A_13 = arith.sitofp %convert_element_type3A : vector<8x2048xi32> to vector<8x2048xf32>
    %iota3A_14 = tpu.iota {dimensions = array<i32: 0>} : vector<2048x2048xi32>
    %iota3A_15 = tpu.iota {dimensions = array<i32: 1>} : vector<2048x2048xi32>
    %le3A = arith.cmpi sle, %iota3A_14, %iota3A_15 : vector<2048x2048xi32>
    %convert_element_type3A_16 = arith.extui %le3A : vector<2048x2048xi1> to vector<2048x2048xi32>
    %convert_element_type3A_17 = arith.sitofp %convert_element_type3A_16 : vector<2048x2048xi32> to vector<2048x2048xf32>
    %dot_general3A_18 = arith.constant dense<0.000000e+00> : vector<8x2048xf32>
    %dot_general3A_19 = tpu.matmul %convert_element_type3A_13, %convert_element_type3A_17, %dot_general3A_18 {dimension_numbers = #tpu.dot_dimension_numbers<[1], [0], [0], [1], [0, 0, 1, 1], [], []>, transpose_lhs_hint = false} : vector<8x2048xf32>, vector<2048x2048xf32>, vector<8x2048xf32> -> vector<8x2048xf32>
    %slice3A = vector.extract_strided_slice %dot_general3A_19 {offsets = [0, 2047], sizes = [8, 1], strides = [1, 1]} : vector<8x2048xf32> to vector<8x1xf32>
    %convert_element_type3A_20 = arith.fptosi %slice3A : vector<8x1xf32> to vector<8x1xi32>
    %add3A = arith.constant 255 : i32
    %add3A_21 = vector.broadcast %add3A : i32 to vector<8x1xi32>
    %add3A_22 = arith.addi %convert_element_type3A_20, %add3A_21 : vector<8x1xi32>
    %jit3A_23 = arith.constant 256 : i32
    %div3A = vector.broadcast %jit3A_23 : i32 to vector<8x1xi32>
    %div3A_24 = arith.divsi %add3A_22, %div3A : vector<8x1xi32>
    %sign3A = arith.constant 0 : i32
    %sign3A_25 = vector.broadcast %sign3A : i32 to vector<8x1xi32>
    %sign3A_26 = arith.cmpi sgt, %add3A_22, %sign3A_25 : vector<8x1xi32>
    %sign3A_27 = arith.extui %sign3A_26 : vector<8x1xi1> to vector<8x1xi32>
    %sign3A_28 = arith.constant 0 : i32
    %sign3A_29 = vector.broadcast %sign3A_28 : i32 to vector<8x1xi32>
    %sign3A_30 = arith.cmpi slt, %add3A_22, %sign3A_29 : vector<8x1xi32>
    %sign3A_31 = arith.extui %sign3A_30 : vector<8x1xi1> to vector<8x1xi32>
    %sign3A_32 = arith.subi %sign3A_27, %sign3A_31 : vector<8x1xi32>
    %sign3A_33 = arith.constant 0 : i32
    %sign3A_34 = arith.cmpi sgt, %jit3A_23, %sign3A_33 : i32
    %sign3A_35 = arith.extui %sign3A_34 : i1 to i32
    %sign3A_36 = arith.constant 0 : i32
    %sign3A_37 = arith.cmpi slt, %jit3A_23, %sign3A_36 : i32
    %sign3A_38 = arith.extui %sign3A_37 : i1 to i32
    %sign3A_39 = arith.subi %sign3A_35, %sign3A_38 : i32
    %ne3A = vector.broadcast %sign3A_39 : i32 to vector<8x1xi32>
    %ne3A_40 = arith.cmpi ne, %sign3A_32, %ne3A : vector<8x1xi32>
    %rem3A = vector.broadcast %jit3A_23 : i32 to vector<8x1xi32>
    %rem3A_41 = arith.remsi %add3A_22, %rem3A : vector<8x1xi32>
    %ne3A_42 = arith.constant 0 : i32
    %ne3A_43 = vector.broadcast %ne3A_42 : i32 to vector<8x1xi32>
    %ne3A_44 = arith.cmpi ne, %rem3A_41, %ne3A_43 : vector<8x1xi32>
    %and3A = arith.andi %ne3A_40, %ne3A_44 : vector<8x1xi1>
    %sub3A = arith.constant 1 : i32
    %sub3A_45 = vector.broadcast %sub3A : i32 to vector<8x1xi32>
    %sub3A_46 = arith.subi %div3A_24, %sub3A_45 : vector<8x1xi32>
    %select_n3A_47 = arith.select %and3A, %sub3A_46, %div3A_24 : vector<8x1xi1>, vector<8x1xi32>
    %mul3A = arith.constant 256 : i32
    %mul3A_48 = vector.broadcast %mul3A : i32 to vector<8x1xi32>
    %mul3A_49 = arith.muli %select_n3A_47, %mul3A_48 : vector<8x1xi32>
    %convert_element_type3A_50 = arith.sitofp %mul3A_49 : vector<8x1xi32> to vector<8x1xf32>
    %iota3A_51 = tpu.iota {dimensions = array<i32: 0>} : vector<8x8xi32>
    %iota3A_52 = tpu.iota {dimensions = array<i32: 1>} : vector<8x8xi32>
    %lt3A = arith.cmpi slt, %iota3A_52, %iota3A_51 : vector<8x8xi32>
    %convert_element_type3A_53 = arith.extui %lt3A : vector<8x8xi1> to vector<8x8xi32>
    %convert_element_type3A_54 = arith.sitofp %convert_element_type3A_53 : vector<8x8xi32> to vector<8x8xf32>
    %broadcast_in_dim3A_55 = vector.shape_cast %convert_element_type3A_50 : vector<8x1xf32> to vector<8x1xf32>
    %broadcast_in_dim3A_56 = vector.broadcast %broadcast_in_dim3A_55 : vector<8x1xf32> to vector<8x128xf32>
    %dot_general3A_57 = arith.constant dense<0.000000e+00> : vector<8x128xf32>
    %dot_general3A_58 = tpu.matmul %convert_element_type3A_54, %broadcast_in_dim3A_56, %dot_general3A_57 {dimension_numbers = #tpu.dot_dimension_numbers<[1], [0], [0], [1], [0, 0, 1, 1], [], []>, transpose_lhs_hint = false} : vector<8x8xf32>, vector<8x128xf32>, vector<8x128xf32> -> vector<8x128xf32>
    %slice3A_59 = vector.extract_strided_slice %dot_general3A_58 {offsets = [0, 0], sizes = [8, 1], strides = [1, 1]} : vector<8x128xf32> to vector<8x1xf32>
    %add3A_60 = vector.broadcast %slice3A_59 : vector<8x1xf32> to vector<8x2048xf32>
    %add3A_61 = arith.addf %add3A_60, %dot_general3A_19 : vector<8x2048xf32>
    %sub3A_62 = arith.constant 1.000000e+00 : f32
    %sub3A_63 = vector.broadcast %sub3A_62 : f32 to vector<8x2048xf32>
    %sub3A_64 = arith.subf %add3A_61, %sub3A_63 : vector<8x2048xf32>
    %mul3A_65 = arith.mulf %convert_element_type3A_13, %sub3A_64 : vector<8x2048xf32>
    %reduce_sum3A = arith.constant dense<0.000000e+00> : vector<2048xf32>
    %reduce_sum3A_66 = vector.multi_reduction <add>, %mul3A_65, %reduce_sum3A [0] : vector<8x2048xf32> to vector<2048xf32>
    %broadcast_in_dim3A_67 = vector.shape_cast %reduce_sum3A_66 : vector<2048xf32> to vector<1x2048xf32>
    %convert_element_type3A_68 = arith.fptosi %broadcast_in_dim3A_67 : vector<1x2048xf32> to vector<1x2048xi32>
    %swap3A = arith.constant 0 : index
    %swap3A_69 = arith.constant 0 : index
    %swap3A_70 = vector.load %arg2[%swap3A, %swap3A_69] : memref<1x2048xi32, #tpu.memory_space<vmem>>, vector<1x2048xi32>
    tpu.vector_store %arg2[%swap3A, %swap3A_69], %convert_element_type3A_68 {strides = array<i32>} : memref<1x2048xi32, #tpu.memory_space<vmem>>, vector<1x2048xi32>,
    %iota3A_71 = tpu.iota {dimensions = array<i32: 1>} : vector<1x16xi32>
    %mul3A_72 = arith.constant 256 : i32
    %mul3A_73 = vector.broadcast %mul3A_72 : i32 to vector<1x16xi32>
    %mul3A_74 = arith.muli %iota3A_71, %mul3A_73 : vector<1x16xi32>
    %convert_element_type3A_75 = arith.sitofp %mul3A_74 : vector<1x16xi32> to vector<1x16xf32>
    %iota3A_76 = tpu.iota {dimensions = array<i32: 0>} : vector<8x16xi32>
    %le3A_77 = vector.broadcast %slice3A_59 : vector<8x1xf32> to vector<8x16xf32>
    %le3A_78 = vector.broadcast %convert_element_type3A_75 : vector<1x16xf32> to vector<8x16xf32>
    %le3A_79 = arith.cmpf ole, %le3A_77, %le3A_78 : vector<8x16xf32>
    %ge3A = arith.constant 1 : i32
    %ge3A_80 = vector.broadcast %ge3A : i32 to vector<8x16xi32>
    %ge3A_81 = arith.cmpi sge, %iota3A_76, %ge3A_80 : vector<8x16xi32>
    %and3A_82 = arith.andi %le3A_79, %ge3A_81 : vector<8x16xi1>
    %convert_element_type3A_83 = arith.extui %and3A_82 : vector<8x16xi1> to vector<8x16xi32>
    %reduce_sum3A_84 = arith.constant dense<0> : vector<16xi32>
    %reduce_sum3A_85 = vector.multi_reduction <add>, %convert_element_type3A_83, %reduce_sum3A_84 [0] : vector<8x16xi32> to vector<16xi32>
    %broadcast_in_dim3A_86 = vector.shape_cast %reduce_sum3A_85 : vector<16xi32> to vector<1x16xi32>
    %gt3A = arith.constant 0.000000e+00 : f32
    %gt3A_87 = vector.broadcast %gt3A : f32 to vector<8x1xf32>
    %gt3A_88 = arith.cmpf ogt, %slice3A, %gt3A_87 : vector<8x1xf32>
    %iota3A_89 = tpu.iota {dimensions = array<i32: 0>} : vector<8x1xi32>
    %jit3A_90 = arith.constant 0 : i32
    %broadcast_in_dim3A_91 = vector.broadcast %jit3A_90 : i32 to vector<8x1xi32>
    %select_n3A_92 = arith.select %gt3A_88, %iota3A_89, %broadcast_in_dim3A_91 : vector<8x1xi1>, vector<8x1xi32>
    %reduce_max3A_93 = arith.constant dense<-2147483648> : vector<1xi32>
    %reduce_max3A_94 = vector.multi_reduction <maxsi>, %select_n3A_92, %reduce_max3A_93 [0] : vector<8x1xi32> to vector<1xi32>
    %broadcast_in_dim3A_95 = vector.shape_cast %reduce_max3A_94 : vector<1xi32> to vector<1x1xi32>
    %min3A = vector.broadcast %broadcast_in_dim3A_95 : vector<1x1xi32> to vector<1x16xi32>
    %min3A_96 = arith.minsi %broadcast_in_dim3A_86, %min3A : vector<1x16xi32>
    %swap3A_97 = arith.constant 0 : index
    %swap3A_98 = arith.constant 0 : index
    %swap3A_99 = vector.load %arg3[%swap3A_97, %swap3A_98] : memref<1x16xi32, #tpu.memory_space<vmem>>, vector<1x16xi32>
    tpu.vector_store %arg3[%swap3A_97, %swap3A_98], %min3A_96 {strides = array<i32>} : memref<1x16xi32, #tpu.memory_space<vmem>>, vector<1x16xi32>,
    %slice3A_100 = vector.extract_strided_slice %slice3A_59 {offsets = [7, 0], sizes = [1, 1], strides = [1, 1]} : vector<8x1xf32> to vector<1x1xf32>
    %slice3A_101 = vector.extract_strided_slice %convert_element_type3A_50 {offsets = [7, 0], sizes = [1, 1], strides = [1, 1]} : vector<8x1xf32> to vector<1x1xf32>
    %add3A_102 = arith.addf %slice3A_100, %slice3A_101 : vector<1x1xf32>
    %lt3A_103 = vector.broadcast %add3A_102 : vector<1x1xf32> to vector<1x16xf32>
    %lt3A_104 = arith.cmpf olt, %convert_element_type3A_75, %lt3A_103 : vector<1x16xf32>
    %convert_element_type3A_105 = arith.extui %lt3A_104 : vector<1x16xi1> to vector<1x16xi32>
    %swap3A_106 = arith.constant 0 : index
    %swap3A_107 = arith.constant 0 : index
    %swap3A_108 = vector.load %arg4[%swap3A_106, %swap3A_107] : memref<1x16xi32, #tpu.memory_space<vmem>>, vector<1x16xi32>
    tpu.vector_store %arg4[%swap3A_106, %swap3A_107], %convert_element_type3A_105 {strides = array<i32>} : memref<1x16xi32, #tpu.memory_space<vmem>>, vector<1x16xi32>,
    %iota3A_109 = tpu.iota {dimensions = array<i32: 1>} : vector<1x16xi32>
    %convert_element_type3A_110 = arith.fptosi %add3A_102 : vector<1x1xf32> to vector<1x1xi32>
    %jit3A_111 = arith.constant 256 : i32
    %div3A_112 = vector.broadcast %jit3A_111 : i32 to vector<1x1xi32>
    %div3A_113 = arith.divsi %convert_element_type3A_110, %div3A_112 : vector<1x1xi32>
    %sign3A_114 = arith.constant 0 : i32
    %sign3A_115 = vector.broadcast %sign3A_114 : i32 to vector<1x1xi32>
    %sign3A_116 = arith.cmpi sgt, %convert_element_type3A_110, %sign3A_115 : vector<1x1xi32>
    %sign3A_117 = arith.extui %sign3A_116 : vector<1x1xi1> to vector<1x1xi32>
    %sign3A_118 = arith.constant 0 : i32
    %sign3A_119 = vector.broadcast %sign3A_118 : i32 to vector<1x1xi32>
    %sign3A_120 = arith.cmpi slt, %convert_element_type3A_110, %sign3A_119 : vector<1x1xi32>
    %sign3A_121 = arith.extui %sign3A_120 : vector<1x1xi1> to vector<1x1xi32>
    %sign3A_122 = arith.subi %sign3A_117, %sign3A_121 : vector<1x1xi32>
    %sign3A_123 = arith.constant 0 : i32
    %sign3A_124 = arith.cmpi sgt, %jit3A_111, %sign3A_123 : i32
    %sign3A_125 = arith.extui %sign3A_124 : i1 to i32
    %sign3A_126 = arith.constant 0 : i32
    %sign3A_127 = arith.cmpi slt, %jit3A_111, %sign3A_126 : i32
    %sign3A_128 = arith.extui %sign3A_127 : i1 to i32
    %sign3A_129 = arith.subi %sign3A_125, %sign3A_128 : i32
    %ne3A_130 = vector.broadcast %sign3A_129 : i32 to vector<1x1xi32>
    %ne3A_131 = arith.cmpi ne, %sign3A_122, %ne3A_130 : vector<1x1xi32>
    %rem3A_132 = vector.broadcast %jit3A_111 : i32 to vector<1x1xi32>
    %rem3A_133 = arith.remsi %convert_element_type3A_110, %rem3A_132 : vector<1x1xi32>
    %ne3A_134 = arith.constant 0 : i32
    %ne3A_135 = vector.broadcast %ne3A_134 : i32 to vector<1x1xi32>
    %ne3A_136 = arith.cmpi ne, %rem3A_133, %ne3A_135 : vector<1x1xi32>
    %and3A_137 = arith.andi %ne3A_131, %ne3A_136 : vector<1x1xi1>
    %sub3A_138 = arith.constant 1 : i32
    %sub3A_139 = vector.broadcast %sub3A_138 : i32 to vector<1x1xi32>
    %sub3A_140 = arith.subi %div3A_113, %sub3A_139 : vector<1x1xi32>
    %select_n3A_141 = arith.select %and3A_137, %sub3A_140, %div3A_113 : vector<1x1xi1>, vector<1x1xi32>
    %sub3A_142 = arith.constant 1 : i32
    %sub3A_143 = vector.broadcast %sub3A_142 : i32 to vector<1x1xi32>
    %sub3A_144 = arith.subi %select_n3A_141, %sub3A_143 : vector<1x1xi32>
    %min3A_145 = vector.broadcast %sub3A_144 : vector<1x1xi32> to vector<1x16xi32>
    %min3A_146 = arith.minsi %iota3A_109, %min3A_145 : vector<1x16xi32>
    %swap3A_147 = arith.constant 0 : index
    %swap3A_148 = arith.constant 0 : index
    %swap3A_149 = vector.load %arg5[%swap3A_147, %swap3A_148] : memref<1x16xi32, #tpu.memory_space<vmem>>, vector<1x16xi32>
    tpu.vector_store %arg5[%swap3A_147, %swap3A_148], %min3A_146 {strides = array<i32>} : memref<1x16xi32, #tpu.memory_space<vmem>>, vector<1x16xi32>,
    return
  }
}

module attributes {stable_mosaic.version = 14 : i64} {
  func.func @_mm_kernel(%arg0: i32, %arg1: memref<16xi32, #tpu.memory_space<smem>>, %arg2: memref<16xi32, #tpu.memory_space<smem>>, %arg3: memref<16xi32, #tpu.memory_space<smem>>, %arg4: memref<256x1024xf32, #tpu.memory_space<vmem>>, %arg5: memref<1x2048x1024xf32, #tpu.memory_space<vmem>>, %arg6: memref<256x2048xf32, #tpu.memory_space<vmem>>) attributes {dimension_semantics = [#tpu.dimension_semantics<arbitrary>], iteration_bounds = array<i64: 16>, scalar_prefetch = 3 : i64, scratch_operands = 0 : i64, tpu.core_type = #tpu.core_type<tc>, window_params = [{transform_indices = @transform_0, window_bounds = array<i64: 256, 1024>}, {transform_indices = @transform_1, window_bounds = array<i64: 1, 2048, 1024>}, {transform_indices = @transform_2, window_bounds = array<i64: 256, 2048>}]} {
    %get3A = arith.index_cast %arg0 : i32 to index
    %get3A_0 = memref.load %arg2[%get3A] : memref<16xi32, #tpu.memory_space<smem>>
    %eq3A = arith.constant 1 : i32
    %eq3A_1 = arith.cmpi eq, %get3A_0, %eq3A : i32
    %convert_element_type3A = arith.extui %eq3A_1 : i1 to i32
    %cond3A = arith.constant 0 : i32
    %cond3A_2 = arith.cmpi ne, %convert_element_type3A, %cond3A : i32
    scf.if %cond3A_2 {
      %get3A_3 = arith.constant 0 : index
      %get3A_4 = arith.constant 0 : index
      %get3A_5 = vector.load %arg4[%get3A_3, %get3A_4] : memref<256x1024xf32, #tpu.memory_space<vmem>>, vector<256x1024xf32>
      %get3A_6 = arith.constant 0 : index
      %get3A_7 = arith.constant 0 : index
      %get3A_8 = arith.constant 0 : index
      %get3A_9 = vector.load %arg5[%get3A_6, %get3A_7, %get3A_8] : memref<1x2048x1024xf32, #tpu.memory_space<vmem>>, vector<1x2048x1024xf32>
      %get3A_10 = vector.shape_cast %get3A_9 : vector<1x2048x1024xf32> to vector<2048x1024xf32>
      %dot_general3A = arith.constant dense<0.000000e+00> : vector<256x2048xf32>
      %dot_general3A_11 = tpu.matmul %get3A_5, %get3A_10, %dot_general3A {dimension_numbers = #tpu.dot_dimension_numbers<[1], [1], [0], [0], [0, 0, 1, 0], [], []>, transpose_lhs_hint = false} : vector<256x1024xf32>, vector<2048x1024xf32>, vector<256x2048xf32> -> vector<256x2048xf32>
      %swap3A = arith.constant 0 : index
      %swap3A_12 = arith.constant 0 : index
      %swap3A_13 = vector.load %arg6[%swap3A, %swap3A_12] : memref<256x2048xf32, #tpu.memory_space<vmem>>, vector<256x2048xf32>
      tpu.vector_store %arg6[%swap3A, %swap3A_12], %dot_general3A_11 {strides = array<i32>} : memref<256x2048xf32, #tpu.memory_space<vmem>>, vector<256x2048xf32>,
    } else {
    }
    return
  }
  func.func @transform_0(%arg0: i32, %arg1: memref<16xi32, #tpu.memory_space<smem>>, %arg2: memref<16xi32, #tpu.memory_space<smem>>, %arg3: memref<16xi32, #tpu.memory_space<smem>>) -> (i32, i32) {
    %get3A = arith.index_cast %arg0 : i32 to index
    %get3A_0 = memref.load %arg3[%get3A] : memref<16xi32, #tpu.memory_space<smem>>
    %c0_i32 = arith.constant 0 : i32
    %c0_i32_1 = arith.constant 0 : i32
    return %get3A_0, %c0_i32 : i32, i32
  }
  func.func @transform_1(%arg0: i32, %arg1: memref<16xi32, #tpu.memory_space<smem>>, %arg2: memref<16xi32, #tpu.memory_space<smem>>, %arg3: memref<16xi32, #tpu.memory_space<smem>>) -> (i32, i32, i32) {
    %get3A = arith.index_cast %arg0 : i32 to index
    %get3A_0 = memref.load %arg1[%get3A] : memref<16xi32, #tpu.memory_space<smem>>
    %c0_i32 = arith.constant 0 : i32
    %c0_i32_1 = arith.constant 0 : i32
    %c0_i32_2 = arith.constant 0 : i32
    return %get3A_0, %c0_i32, %c0_i32_1 : i32, i32, i32
  }
  func.func @transform_2(%arg0: i32, %arg1: memref<16xi32, #tpu.memory_space<smem>>, %arg2: memref<16xi32, #tpu.memory_space<smem>>, %arg3: memref<16xi32, #tpu.memory_space<smem>>) -> (i32, i32) {
    %get3A = arith.index_cast %arg0 : i32 to index
    %get3A_0 = memref.load %arg3[%get3A] : memref<16xi32, #tpu.memory_space<smem>>
    %c0_i32 = arith.constant 0 : i32
    %c0_i32_1 = arith.constant 0 : i32
    return %get3A_0, %c0_i32 : i32, i32
  }
}

</mosaic_0001>

<sc_bundles>
// kernel: kernel.6.cloned.1.call-start
scs
__scs_entry_jumppad:
0x0: {  	(pc) =	sbr.rel $0x88, $3  }
0x1: {  	(tag) =	ssettag $0x0;
	lr =	simm.s32 $0x1  }
0x2: {  	[smem:$0x3F9E] =	sst lr;
	_ =	strace $0xD0000000  }
0x3: {  	_ = 	snop  }
0x4: {  	_ = 	snop  }
0x5: {  	_ = 	snop  }
0x6: {  	_ = 	snop  }
0x7: {  	_ = 	snop  }
__scs_overlays_trampoline_lowered:
0x8: {  	[smem:$0x3FAD] =	sst s0  }
0x9: {  	[smem:$0x3FAE] =	sst s1  }
0xa: {  	[smem:$0x3FAF] =	sst s2  }
0xb: {  	[smem:$0x3FB0] =	sst s3  }
0xc: {  	[smem:$0x3FB1] =	sst s4  }
0xd: {  	[smem:$0x3FB2] =	sst s5  }
0xe: {  	[smem:$0x3FB3] =	sst s6  }
0xf: {  	[smem:$0x3FB4] =	sst s7  }
0x10: {  	[smem:$0x3FB5] =	sst s8  }
0x11: {  	[smem:$0x3FB6] =	sst s9;
	s0 =	simm.s32 @!p0 $0x0  }
0x12: {  	s1 =	sld [smem:$0x3F9C];
	s0 =	simm.s32 @p0 $0x1  }
0x13: {  	[smem:$0x3FB7] =	sst s0;
	s0 =	simm.s32 @!p1 $0x0  }
0x14: {  	s2 =	sld [smem:$0x3F9B];
	s0 =	simm.s32 @p1 $0x1  }
0x15: {  	[smem:$0x3FB8] =	sst s0;
	s0 =	simm.s32 @!p2 $0x0  }
0x16: {  	s3 =	sld [smem:$0x3FDB];
	s0 =	simm.s32 @p2 $0x1  }
0x17: {  	s4 =	simm.s32 $0x1BF5;
	[smem:$0x3FBA] =	sst s0  }
0x18: {  	s0 =	sld [smem:$0x3F9D];
	_ =	swait.ge [sflag:s4], $0x0  }
0x19: {  	s7 =	sld [smem:$0x3F9E]  }
0x1a: {  	s8 =	sadd.s32 $0xFFFFE003, lr  }
0x1b: {  	s9 =	sadd.s32 $0xFFFFFEF7, lr;
	s5 =	simm.s32 $0xFFFFFFFF;
	p2 =	slt.u32 s8, $0xFFFFF086  }
0x1c: {  	p1 =	slt.u32 s9, $0xF7A;
	s5 =	simm.s32 @!p2 $0x0  }
0x1d: {  	s5 =	simm.s32 @p1 $0x1;
	p0 =	seq.s32 s7, s2  }
0x1e: {  	s7 =	smul.u32 @!p0 $0xF7A, s2;
	p2 =	seq.s32 @!p0 s5, $0x0  }
0x1f: {  	s9 =	smul.u32 $0xF7A, s1;
	s8 =	simm.s32 @!p0 $0x1BF5;
	p2 =	por !p2, p0  }
0x20: {  	[sflag:s8] =	ssyncset.s32 @!p0 $0xFFFFF086;
	s6 =	sadd.s32 @!p0 s3, s7;
	s7 =	simm.s32 @!p0 $0x108  }
0x21: {  	s3 =	sadd.s32 s3, s9;
	s6 =	sadd.s32 @!p0 $0x88, s6;
	s7 =	simm.s32 @p2 $0x1082  }
0x22: {  	[simem:s7], [sflag:s8] =	dma.local @!p0 [hbm:s6], $0xF7A  }
0x23: {  	s9 =	sor.u32 $0xD0000000, s2;
	s6 =	simm.s32 $0x108;
	_ =	swait.ge @!p0 [sflag:s8], $0x0  }
0x24: {  	s3 =	sadd.s32 $0x88, s3;
	s6 =	simm.s32 @!p1 $0x1082;
	[sflag:s4] =	ssyncset.s32 $0xFFFFF086  }
0x25: {  	[simem:s6], [sflag:s4] =	dma.local [hbm:s3], $0xF7A  }
0x26: {  	[smem:$0x3F9E] =	sst s1;
	(tag) =	ssettag s2;
	_ =	strace s9  }
0x27: {  	s1 =	sld [smem:$0x3FAE]  }
0x28: {  	s2 =	sld [smem:$0x3FAF]  }
0x29: {  	s4 =	sld [smem:$0x3FB1]  }
0x2a: {  	p0 =	seq.s32 s5, $0x0;
	s5 =	sld [smem:$0x3FB2]  }
0x2b: {  	s6 =	sld [smem:$0x3FB3]  }
0x2c: {  	s7 =	sld [smem:$0x3FB4]  }
0x2d: {  	s3 =	simm.s32 $0x108;
	s8 =	sld [smem:$0x3FB5]  }
0x2e: {  	s3 =	simm.s32 @!p0 $0x1082;
	s9 =	sld [smem:$0x3FB6]  }
0x2f: {  	lr =	sadd.s32 s0, s3;
	s0 =	sld [smem:$0x3FAD]  }
0x30: {  	s3 =	sld [smem:$0x3FB0]  }
0x31: {  	[smem:$0x3FB9] =	sst s10  }
0x32: {  	s10 =	sld [smem:$0x3FB7];
	_ =	sdelay $0x3  }
0x33: {  	p0 =	seq.s32 s10, $0x1;
	s10 =	sld [smem:$0x3FB9];
	_ =	sdelay $0x3  }
0x34: {  	[smem:$0x3FB9] =	sst s10  }
0x35: {  	s10 =	sld [smem:$0x3FB8];
	_ =	sdelay $0x3  }
0x36: {  	p1 =	seq.s32 s10, $0x1;
	s10 =	sld [smem:$0x3FB9];
	_ =	sdelay $0x3  }
0x37: {  	[smem:$0x3FB9] =	sst s10  }
0x38: {  	s10 =	sld [smem:$0x3FBA]  }
0x39: {  	_ = 	snop;
	(pc) =	sbr.ind lr, $3  }
0x3a: {  	_ = 	snop  }
0x3b: {  	_ = 	snop  }
0x3c: {  	p2 =	seq.s32 s10, $0x1;
	s10 =	sld [smem:$0x3FB9]  }
0x3d: {  	_ =	shalt  }
0x3e: {  	_ =	shalt  }
0x3f: {  	_ =	shalt  }
0x40: {  	_ =	shalt  }
0x41: {  	_ =	shalt  }
0x42: {  	_ =	shalt  }
0x43: {  	_ =	shalt  }
0x44: {  	_ =	shalt  }
0x45: {  	_ =	shalt  }
0x46: {  	_ =	shalt  }
0x47: {  	_ =	shalt  }
0x48: {  	_ =	shalt  }
0x49: {  	_ =	shalt  }
0x4a: {  	_ =	shalt  }
0x4b: {  	_ =	shalt  }
0x4c: {  	_ =	shalt  }
0x4d: {  	_ =	shalt  }
0x4e: {  	_ =	shalt  }
0x4f: {  	_ =	shalt  }
0x50: {  	_ =	shalt  }
0x51: {  	_ =	shalt  }
0x52: {  	_ =	shalt  }
0x53: {  	_ =	shalt  }
0x54: {  	_ =	shalt  }
0x55: {  	_ =	shalt  }
0x56: {  	_ =	shalt  }
0x57: {  	_ =	shalt  }
0x58: {  	_ =	shalt  }
0x59: {  	_ =	shalt  }
0x5a: {  	_ =	shalt  }
0x5b: {  	_ =	shalt  }
0x5c: {  	_ =	shalt  }
0x5d: {  	_ =	shalt  }
0x5e: {  	_ =	shalt  }
0x5f: {  	_ =	shalt  }
0x60: {  	_ =	shalt  }
0x61: {  	_ =	shalt  }
0x62: {  	_ =	shalt  }
0x63: {  	_ =	shalt  }
0x64: {  	_ =	shalt  }
0x65: {  	_ =	shalt  }
0x66: {  	_ =	shalt  }
0x67: {  	_ =	shalt  }
0x68: {  	_ =	shalt  }
0x69: {  	_ =	shalt  }
0x6a: {  	_ =	shalt  }
0x6b: {  	_ =	shalt  }
0x6c: {  	_ =	shalt  }
0x6d: {  	_ =	shalt  }
0x6e: {  	_ =	shalt  }
0x6f: {  	_ =	shalt  }
0x70: {  	_ =	shalt  }
0x71: {  	_ =	shalt  }
0x72: {  	_ =	shalt  }
0x73: {  	_ =	shalt  }
0x74: {  	_ =	shalt  }
0x75: {  	_ =	shalt  }
0x76: {  	_ =	shalt  }
0x77: {  	_ =	shalt  }
0x78: {  	_ =	shalt  }
0x79: {  	_ =	shalt  }
0x7a: {  	_ =	shalt  }
0x7b: {  	_ =	shalt  }
0x7c: {  	_ =	shalt  }
0x7d: {  	_ =	shalt  }
0x7e: {  	_ =	shalt  }
0x7f: {  	_ =	shalt  }
0x80: {  	_ =	shalt  }
0x81: {  	_ =	shalt  }
0x82: {  	_ =	shalt  }
0x83: {  	_ =	shalt  }
0x84: {  	_ =	shalt  }
0x85: {  	_ =	shalt  }
0x86: {  	_ =	shalt  }
0x87: {  	_ =	shalt  }
.Lfunc_end0:
.L_simem_size_0:
called_computation_lowered:
.L_overlay_start_0:
0x88: {  	s2 =	sld [smem:$0x3FD9]  }
0x89: {  	s3 =	sld [smem:$0x3FFE];
	_ =	sdelay $0x1  }
0x8a: {  	s1 =	srdreg.scid  }
0x8b: {  	s0 =	sand.u32 $0x1, s1  }
0x8c: {  	s17 =	sshll.u32 s0, $0xA;
	s2 =	sadd.s32 s3, s2  }
0x8d: {  	s2 =	sadd.s32 s2, s17  }
0x8e: {  	[smem:$0x3FC5] =	sst s2  }
0x8f: {  	_ = 	snop  }
0x90: {  	s2 =	sld [smem:$0x3FC9]  }
0x91: {  	s18 =	sld [smem:$0x3FD0];
	(tm) =	ssettm $0x1  }
0x92: {  	s4 =	sld [smem:$0x3FFB];
	_ =	sdelay $0x3  }
0x93: {  	_ =	strace s4  }
0x94: {  	s4 =	sld [smem:$0x3FFC];
	_ =	sdelay $0x3  }
0x95: {  	_ =	strace s4  }
0x96: {  	s4 =	sld [smem:$0x3FFD];
	_ =	sdelay $0x3  }
0x97: {  	_ =	strace s4  }
0x98: {  	_ =	strace $0x8FFFFFFF  }
0x99: {  	s19 =	sld [smem:$0x3FDB];
	_ =	sdelay $0x1  }
0x9a: {  	s5 =	simm.s32 $_scs_section_size  }
0x9b: {  	s6 =	simm.s32 $_size__tile_overlayer_lowered;
	s7 =	simm.s32 $_tile_overlayer_lowered  }
0x9c: {  	s22 =	simm.s32 $0x1BFF;
	s21 =	sshll.u32 s7, $0x1;
	s4 =	sadd.s32 s5, s19  }
0x9d: {  	s8 =	simm.s32 $0x0;
	s20 =	sshll.u32 s6, $0x1;
	s6 =	sadd.s32 s21, s4  }
0x9e: {  	[timem:s8], [sflag:s22] =	dma.local [hbm:s6], s20  }
0x9f: {  	_ =	swait.ge [sflag:s22], s20  }
0xa0: {  	s5 =	ssub.s32 $0x0, s20;
	[sflag:s22] =	ssyncset.done $0x0  }
0xa1: {  	[sflag:s22] =	ssyncadd.s32 s5;
	_ =	sdelay $0x1  }
0xa2: {  	s23 =	simm.s32 $0x1B8B  }
0xa3: {  	_ =	swait.ge [sflag:s23], $0x1  }
0xa4: {  	[sflag:s23] =	ssyncset.done $0x0  }
0xa5: {  	s25 =	simm.s32 $0x1B8E;
	s24 =	sld [smem:$0x3FFE];
	[sflag:s23] =	ssyncadd.s32 $0xFFFFFFFF  }
0xa6: {  	s26 =	simm.s32 $execute0_lowered;
	[smem:$0x3FD2] =	sst s25  }
0xa7: {  	s6 =	sshll.u32 s26, $0x1;
	_ =	strace $0x80000046;
	[dreg:$0x1] =	wrdreg $0xFFFFFFFF  }
0xa8: {  	s28 =	simm.s32 $_size_execute0_lowered;
	s4 =	sadd.s32 s4, s6;
	[dreg:$0x0] =	wrdreg $0x0  }
0xa9: {  	s6 =	sshll.u32 s28, $0x1;
	[dreg:$0x2] =	wrdreg s4  }
0xaa: {  	[dreg:$0x3] =	wrdreg s6  }
0xab: {  	[dreg:$0x4] =	wrdreg $0xC0  }
0xac: {  	_ =	task [dreg:s8], $0x5FFFF  }
0xad: {  	[dreg:$0x1] =	wrdreg $0xFFFFFFFF  }
0xae: {  	[dreg:$0x0] =	wrdreg $0x60  }
0xaf: {  	[dreg:$0x2] =	wrdreg s2  }
0xb0: {  	[dreg:$0x3] =	wrdreg s24  }
0xb1: {  	[dreg:$0x4] =	wrdreg s18  }
0xb2: {  	[dreg:$0x5] =	wrdreg $0x9  }
0xb3: {  	_ =	task.clear_ibuf [dreg:s8], $0x6FFFF;
	_ =	strace $0x90000046  }
0xb4: {  	s29 =	simm.s32 $0x9;
	_ =	strace $0x80000048  }
0xb5: {  	_ =	swait.ge [sflag:s29], $0x1  }
0xb6: {  	[sflag:s29] =	ssyncadd.s32 $0xFFFFFFFF  }
0xb7: {  	_ =	strace $0x90000048  }
0xb8: {  	_ =	sfence  }
0xb9: {  	s30 =	sld [smem:$0x0];
	_ =	sdelay $0x2  }
0xba: {  	s31 =	sshll.u32 s1, $0xD;
	s1 =	sshrl.u32 s1, $0x2  }
0xbb: {  	s3 =	sand.u32 $0x4000, s31;
	s1 =	sadd.s32 s1, s30  }
0xbc: {  	s0 =	sor.u32 s3, s0;
	s1 =	sshll.u32 s1, $0x11  }
0xbd: {  	s0 =	sor.u32 s1, s0  }
0xbe: {  	s0 =	sadd.s32 $0x8F2B, s0  }
0xbf: {  	[sflag:s0] =	ssyncadd.remote.s32 $0x1  }
0xc0: {  	_ =	sfence.sel $0xFFFF  }
0xc1: {  	[dreg:$0x0] =	wrdreg $0xFFFFFFFF;
	(pc) =	sbr.abs _section_cstart, $3  }
0xc2: {  	[dreg:$0x1] =	wrdreg $0xFFFFFFFF  }
0xc3: {  	_ =	task.clear_ibuf [dreg:s8], $0x2FFFF;
	_ =	strace $0x9FFFFFFF  }
0xc4: {  	(tm) =	ssettm $0x7FFFFFFF  }
0xc5: {  	_ =	shalt  }
tec
execute0_lowered:
.L_overlay_start_1:
0x0: {  	(tag) =	ssettag $0x1  }
0x1: {  	s0 =	rddreg [dreg:$0x0]  }
0x2: {  	s4 =	rddreg [dreg:$0x1];
	s3 =	srdreg.scid  }
0x3: {  	s2 =	rddreg [dreg:$0x2];
	s5 =	sand.u32 $0x1, s3;
	s3 =	simm.s32 $0x0  }
0x4: {  	s11 =	simm.s32 $0x80;
	[smem:$0x7FF] =	sst s3  }
0x5: {  	s12 =	simm.s32 $0x900;
	_ =	strace $0x80000047;
	[dreg:$0x8] =	wrdreg s11  }
0x6: {  	s13 =	simm.s32 $0x1100;
	[dreg:$0x9] =	wrdreg s12  }
0x7: {  	s15 =	simm.s32 $0x1900;
	[dreg:$0xa] =	wrdreg s13  }
0x8: {  	s1 =	stileid.u32;
	s16 =	simm.s32 $0x2100;
	[dreg:$0xb] =	wrdreg s15  }
0x9: {  	s18 =	simm.s32 $0x2900;
	s19 =	simm.s32 $0x3100;
	[dreg:$0xc] =	wrdreg s16  }
0xa: {  	s20 =	simm.s32 $0x3900;
	s21 =	simm.s32 $0x4100;
	[dreg:$0xd] =	wrdreg s18  }
0xb: {  	s22 =	simm.s32 $0x4900;
	s23 =	simm.s32 $0x5100;
	[dreg:$0xe] =	wrdreg s19  }
0xc: {  	s24 =	simm.s32 $0x5900;
	s25 =	simm.s32 $0x6100;
	[dreg:$0xf] =	wrdreg s20  }
0xd: {  	s26 =	simm.s32 $0x6900;
	s28 =	simm.s32 $0xE900;
	[dreg:$0x10] =	wrdreg s21  }
0xe: {  	s29 =	simm.s32 $0xF100;
	s30 =	simm.s32 $0xF900;
	[dreg:$0x11] =	wrdreg s22  }
0xf: {  	s31 =	simm.s32 $0x3;
	s6 =	sshll.u32 s1, $0x7;
	[dreg:$0x12] =	wrdreg s23  }
0x10: {  	s4 =	sadd.s32 $0x1200, s4;
	s7 =	sshll.u32 s5, $0x6;
	[dreg:$0x13] =	wrdreg s24  }
0x11: {  	s14 =	ssub.s32 $0x2, s5;
	s6 =	sor.u32 s7, s6;
	[dreg:$0x14] =	wrdreg s25  }
0x12: {  	s5 =	sshrl.u32 s14, $0x1;
	s11 =	simm.s32 $0x1;
	[dreg:$0x15] =	wrdreg s26  }
0x13: {  	s13 =	simm.s32 $0x7900;
	s15 =	simm.s32 $0x8900;
	s16 =	simm.s32 $0x9100  }
0x14: {  	s18 =	simm.s32 $0xA100;
	s19 =	simm.s32 $0xA900;
	s20 =	simm.s32 $0xB100  }
0x15: {  	s21 =	simm.s32 $0xB900;
	s22 =	simm.s32 $0xC100;
	s23 =	simm.s32 $0xC900  }
0x16: {  	s24 =	simm.s32 $0xD100;
	s25 =	simm.s32 $0xD900;
	s26 =	simm.s32 $0xE100  }
0x17: {  	s7 =	sshrl.u32 s6, $0x3;
	s8 =	sor.u32 $0x20, s6;
	s6 =	sshll.u32 s6, $0x7  }
0x18: {  	s17 =	ssub.s32 s14, s5;
	s5 =	sadd.s32 $0x200, s2;
	s14 =	simm.s32 $0x2  }
0x19: {  	s7 =	sadd.s32 s4, s7;
	s9 =	sshrl.u32 s8, $0x3;
	s10 =	sshll.u32 s8, $0x7  }
0x1a: {  	s8 =	simm.s32 $0x5;
	[dreg:$0x4] =	wrdreg s7;
	s4 =	sadd.s32 s4, s9  }
0x1b: {  	s9 =	sadd.s32 s0, s6;
	s0 =	sadd.s32 s0, s10;
	[dreg:$0x5] =	wrdreg s4  }
0x1c: {  	v2 =	vlaneseq.u32;
	s6 =	sadd.s32 $0x300, s2;
	s7 =	smax.u32 s17, $0x1;
	[dreg:$0x6] =	wrdreg s9  }
0x1d: {  	vm0 =	vmmov $0xffff;
	v1 =	vshrl.u32 v2, $0x3;
	s10 =	simm.s32 $0x8100;
	s17 =	simm.s32 $0x9900;
	[dreg:$0x7] =	wrdreg s0  }
0x1e: {  	v0 =	vand.u32 $0x7, v2;
	v2 =	vor.u32 $0x8, v2;
	v1 =	vmul.u32 $0x8, v1;
	s4 =	sadd.s32 $0x100, s2;
	s9 =	simm.s32 $0x100;
	s0 =	simm.s32 $0x4  }
.LBB2_1:
0x1f: {  	s1 =	rddreg [dreg:$0x4]  }
0x20: {  	[tilespmem:s3], [sflag:$0x5] =	stream.linear.gather [hbm4b:s1+s3], $0x20, $0x38;
	[tilespmem:$0x10100] =	vst v63  }
0x21: {  	_ =	swait.ge [sflag:s8], $0x20  }
0x22: {  	s1 =	rddreg [dreg:$0x5];
	[sflag:s8] =	ssyncset.done $0x0  }
0x23: {  	s12 =	rddreg [dreg:$0x8];
	[sflag:s8] =	ssyncadd.s32 $0xFFFFFFE0  }
0x24: {  	[tilespmem:s12], [sflag:$0x5] =	stream.linear.gather [hbm4b:s1+s3], $0x20, $0x38;
	[tilespmem:$0x10100] =	vst v63  }
0x25: {  	_ =	swait.ge [sflag:s8], $0x20  }
0x26: {  	[sflag:s8] =	ssyncset.done $0x0  }
0x27: {  	s1 =	rddreg [dreg:$0x6];
	[sflag:s8] =	ssyncadd.s32 $0xFFFFFFE0  }
0x28: {  	[tilespmem:s9], [sflag:$0x1] =	stream.linear.gather [hbm4b:s1+s3], $0x8000, $0x38;
	[tilespmem:$0x10100] =	vst v63  }
0x29: {  	s12 =	rddreg [dreg:$0x7]  }
0x2a: {  	[tilespmem:s10], [sflag:$0x2] =	stream.linear.gather [hbm4b:s12+s3], $0x8000, $0x38;
	[tilespmem:$0x10100] =	vst v63  }
0x2b: {  	_ =	swait.ge [sflag:s11], $0x8000  }
0x2c: {  	[sflag:s11] =	ssyncset.done $0x0  }
0x2d: {  	[sflag:s11] =	ssyncadd.s32 $0xFFFF8000  }
0x2e: {  	v3 =	vld [tilespmem:$0x0];
	_ =	sdelay $0x4  }
0x2f: {  	v4 =	vshll.u32 v3, $0x3  }
0x30: {  	v3 =	vand.u32 $0x7, v3;
	v4 =	vand.u32 $0xFFFFFFC0, v4  }
0x31: {  	v3 =	vor.u32 v3, v4  }
0x32: {  	v4 =	vperm.xlane v3, v0;
	_ =	sdelay $0x1  }
0x33: {  	v4 =	vadd.s32 v1, v4;
	_ =	sdelay $0x4  }
0x34: {  	[hbm4b:s2+s3] =	stream.indirect_vreg.scatter [tilespmem:s9], [sflag:$0x3], $0x80, v4, vm0, $0xb8;
	[tilespmem:$0x10100] =	vst v63  }
0x35: {  	s1 =	rddreg [dreg:$0x9];
	v3 =	vperm.xlane v3, v2  }
0x36: {  	[hbm4b:s4+s3] =	stream.indirect_vreg.scatter [tilespmem:s1], [sflag:$0x3], $0x80, v4, vm0, $0xb8;
	[tilespmem:$0x10100] =	vst v63  }
0x37: {  	s12 =	rddreg [dreg:$0xa];
	v3 =	vadd.s32 v1, v3  }
0x38: {  	[hbm4b:s5+s3] =	stream.indirect_vreg.scatter [tilespmem:s12], [sflag:$0x3], $0x80, v4, vm0, $0xb8;
	[tilespmem:$0x10100] =	vst v63  }
0x39: {  	s1 =	rddreg [dreg:$0xb]  }
0x3a: {  	[hbm4b:s6+s3] =	stream.indirect_vreg.scatter [tilespmem:s1], [sflag:$0x3], $0x80, v4, vm0, $0xb8;
	[tilespmem:$0x10100] =	vst v63  }
0x3b: {  	s12 =	rddreg [dreg:$0xc]  }
0x3c: {  	[hbm4b:s2+s3] =	stream.indirect_vreg.scatter [tilespmem:s12], [sflag:$0x3], $0x80, v3, vm0, $0xb8;
	[tilespmem:$0x10100] =	vst v63  }
0x3d: {  	s1 =	rddreg [dreg:$0xd]  }
0x3e: {  	[hbm4b:s4+s3] =	stream.indirect_vreg.scatter [tilespmem:s1], [sflag:$0x3], $0x80, v3, vm0, $0xb8;
	[tilespmem:$0x10100] =	vst v63  }
0x3f: {  	s12 =	rddreg [dreg:$0xe]  }
0x40: {  	[hbm4b:s5+s3] =	stream.indirect_vreg.scatter [tilespmem:s12], [sflag:$0x3], $0x80, v3, vm0, $0xb8;
	[tilespmem:$0x10100] =	vst v63  }
0x41: {  	s1 =	rddreg [dreg:$0xf]  }
0x42: {  	[hbm4b:s6+s3] =	stream.indirect_vreg.scatter [tilespmem:s1], [sflag:$0x3], $0x80, v3, vm0, $0xb8;
	[tilespmem:$0x10100] =	vst v63  }
0x43: {  	v3 =	vld [tilespmem:$0x10];
	_ =	sdelay $0x4  }
0x44: {  	v61 =	vshll.u32 v3, $0x3  }
0x45: {  	v3 =	vand.u32 $0x7, v3;
	v4 =	vand.u32 $0xFFFFFFC0, v61  }
0x46: {  	v3 =	vor.u32 v3, v4  }
0x47: {  	v4 =	vperm.xlane v3, v0;
	_ =	sdelay $0x1  }
0x48: {  	v4 =	vadd.s32 v1, v4;
	_ =	sdelay $0x3  }
0x49: {  	s1 =	rddreg [dreg:$0x10]  }
0x4a: {  	[hbm4b:s2+s3] =	stream.indirect_vreg.scatter [tilespmem:s1], [sflag:$0x3], $0x80, v4, vm0, $0xb8;
	[tilespmem:$0x10100] =	vst v63  }
0x4b: {  	s12 =	rddreg [dreg:$0x11];
	v3 =	vperm.xlane v3, v2  }
0x4c: {  	[hbm4b:s4+s3] =	stream.indirect_vreg.scatter [tilespmem:s12], [sflag:$0x3], $0x80, v4, vm0, $0xb8;
	[tilespmem:$0x10100] =	vst v63  }
0x4d: {  	v3 =	vadd.s32 v1, v3;
	s1 =	rddreg [dreg:$0x12]  }
0x4e: {  	[hbm4b:s5+s3] =	stream.indirect_vreg.scatter [tilespmem:s1], [sflag:$0x3], $0x80, v4, vm0, $0xb8;
	[tilespmem:$0x10100] =	vst v63  }
0x4f: {  	s12 =	rddreg [dreg:$0x13]  }
0x50: {  	[hbm4b:s6+s3] =	stream.indirect_vreg.scatter [tilespmem:s12], [sflag:$0x3], $0x80, v4, vm0, $0xb8;
	[tilespmem:$0x10100] =	vst v63  }
0x51: {  	s1 =	rddreg [dreg:$0x14]  }
0x52: {  	[hbm4b:s2+s3] =	stream.indirect_vreg.scatter [tilespmem:s1], [sflag:$0x3], $0x80, v3, vm0, $0xb8;
	[tilespmem:$0x10100] =	vst v63  }
0x53: {  	s12 =	rddreg [dreg:$0x15]  }
0x54: {  	[hbm4b:s4+s3] =	stream.indirect_vreg.scatter [tilespmem:s12], [sflag:$0x3], $0x80, v3, vm0, $0xb8;
	[tilespmem:$0x10100] =	vst v63  }
0x55: {  	s12 =	simm.s32 $0x7100  }
0x56: {  	[hbm4b:s5+s3] =	stream.indirect_vreg.scatter [tilespmem:s12], [sflag:$0x3], $0x80, v3, vm0, $0xb8;
	[tilespmem:$0x10100] =	vst v63  }
0x57: {  	_ = 	snop  }
0x58: {  	[hbm4b:s6+s3] =	stream.indirect_vreg.scatter [tilespmem:s13], [sflag:$0x3], $0x80, v3, vm0, $0xb8;
	[tilespmem:$0x10100] =	vst v63  }
0x59: {  	_ =	swait.ge [sflag:s14], $0x8000  }
0x5a: {  	[sflag:s14] =	ssyncset.done $0x0  }
0x5b: {  	[sflag:s14] =	ssyncadd.s32 $0xFFFF8000  }
0x5c: {  	v3 =	vld [tilespmem:$0x80];
	_ =	sdelay $0x4  }
0x5d: {  	v62 =	vshll.u32 v3, $0x3  }
0x5e: {  	v3 =	vand.u32 $0x7, v3;
	v4 =	vand.u32 $0xFFFFFFC0, v62  }
0x5f: {  	v3 =	vor.u32 v3, v4  }
0x60: {  	v4 =	vperm.xlane v3, v0;
	_ =	sdelay $0x1  }
0x61: {  	v4 =	vadd.s32 v1, v4;
	_ =	sdelay $0x4  }
0x62: {  	[hbm4b:s2+s3] =	stream.indirect_vreg.scatter [tilespmem:s10], [sflag:$0x4], $0x80, v4, vm0, $0xb8;
	[tilespmem:$0x10100] =	vst v63  }
0x63: {  	v3 =	vperm.xlane v3, v2  }
0x64: {  	[hbm4b:s4+s3] =	stream.indirect_vreg.scatter [tilespmem:s15], [sflag:$0x4], $0x80, v4, vm0, $0xb8;
	[tilespmem:$0x10100] =	vst v63  }
0x65: {  	v3 =	vadd.s32 v1, v3  }
0x66: {  	[hbm4b:s5+s3] =	stream.indirect_vreg.scatter [tilespmem:s16], [sflag:$0x4], $0x80, v4, vm0, $0xb8;
	[tilespmem:$0x10100] =	vst v63  }
0x67: {  	_ = 	snop  }
0x68: {  	[hbm4b:s6+s3] =	stream.indirect_vreg.scatter [tilespmem:s17], [sflag:$0x4], $0x80, v4, vm0, $0xb8;
	[tilespmem:$0x10100] =	vst v63  }
0x69: {  	_ = 	snop  }
0x6a: {  	[hbm4b:s2+s3] =	stream.indirect_vreg.scatter [tilespmem:s18], [sflag:$0x4], $0x80, v3, vm0, $0xb8;
	[tilespmem:$0x10100] =	vst v63  }
0x6b: {  	_ = 	snop  }
0x6c: {  	[hbm4b:s4+s3] =	stream.indirect_vreg.scatter [tilespmem:s19], [sflag:$0x4], $0x80, v3, vm0, $0xb8;
	[tilespmem:$0x10100] =	vst v63  }
0x6d: {  	_ = 	snop  }
0x6e: {  	[hbm4b:s5+s3] =	stream.indirect_vreg.scatter [tilespmem:s20], [sflag:$0x4], $0x80, v3, vm0, $0xb8;
	[tilespmem:$0x10100] =	vst v63  }
0x6f: {  	_ = 	snop  }
0x70: {  	[hbm4b:s6+s3] =	stream.indirect_vreg.scatter [tilespmem:s21], [sflag:$0x4], $0x80, v3, vm0, $0xb8;
	[tilespmem:$0x10100] =	vst v63  }
0x71: {  	v3 =	vld [tilespmem:$0x90];
	_ =	sdelay $0x4  }
0x72: {  	v63 =	vshll.u32 v3, $0x3  }
0x73: {  	v3 =	vand.u32 $0x7, v3;
	v4 =	vand.u32 $0xFFFFFFC0, v63  }
0x74: {  	v3 =	vor.u32 v3, v4  }
0x75: {  	v4 =	vperm.xlane v3, v0;
	_ =	sdelay $0x1  }
0x76: {  	v4 =	vadd.s32 v1, v4;
	_ =	sdelay $0x4  }
0x77: {  	[hbm4b:s2+s3] =	stream.indirect_vreg.scatter [tilespmem:s22], [sflag:$0x4], $0x80, v4, vm0, $0xb8;
	[tilespmem:$0x10100] =	vst v63  }
0x78: {  	v3 =	vperm.xlane v3, v2  }
0x79: {  	[hbm4b:s4+s3] =	stream.indirect_vreg.scatter [tilespmem:s23], [sflag:$0x4], $0x80, v4, vm0, $0xb8;
	[tilespmem:$0x10100] =	vst v63  }
0x7a: {  	v3 =	vadd.s32 v1, v3  }
0x7b: {  	[hbm4b:s5+s3] =	stream.indirect_vreg.scatter [tilespmem:s24], [sflag:$0x4], $0x80, v4, vm0, $0xb8;
	[tilespmem:$0x10100] =	vst v63  }
0x7c: {  	_ = 	snop  }
0x7d: {  	[hbm4b:s6+s3] =	stream.indirect_vreg.scatter [tilespmem:s25], [sflag:$0x4], $0x80, v4, vm0, $0xb8;
	[tilespmem:$0x10100] =	vst v63  }
0x7e: {  	_ = 	snop  }
0x7f: {  	[hbm4b:s2+s3] =	stream.indirect_vreg.scatter [tilespmem:s26], [sflag:$0x4], $0x80, v3, vm0, $0xb8;
	[tilespmem:$0x10100] =	vst v63  }
0x80: {  	_ = 	snop  }
0x81: {  	[hbm4b:s4+s3] =	stream.indirect_vreg.scatter [tilespmem:s28], [sflag:$0x4], $0x80, v3, vm0, $0xb8;
	[tilespmem:$0x10100] =	vst v63  }
0x82: {  	_ = 	snop  }
0x83: {  	[hbm4b:s5+s3] =	stream.indirect_vreg.scatter [tilespmem:s29], [sflag:$0x4], $0x80, v3, vm0, $0xb8;
	[tilespmem:$0x10100] =	vst v63  }
0x84: {  	_ = 	snop  }
0x85: {  	[hbm4b:s6+s3] =	stream.indirect_vreg.scatter [tilespmem:s30], [sflag:$0x4], $0x80, v3, vm0, $0xb8;
	[tilespmem:$0x10100] =	vst v63  }
0x86: {  	p0 =	sne.s32 s7, $0x1;
	_ =	swait.ge [sflag:s31], $0x8000  }
.Ltmp0:
0x87: {  	[sflag:s31] =	ssyncset.done $0x0;
	(pc) =	sbr.rel @p0 .LBB2_1-.Ltmp0, $4  }
0x88: {  	[sflag:s31] =	ssyncadd.s32 $0xFFFF8000  }
0x89: {  	_ =	swait.ge [sflag:s0], $0x8000  }
0x8a: {  	[sflag:s0] =	ssyncset.done $0x0  }
0x8b: {  	s7 =	sadd.s32 $0xFFFFFFFF, s7;
	[sflag:s0] =	ssyncadd.s32 $0xFFFF8000  }
0x8c: {  	_ =	sfence.sel $0x180000  }
0x8d: {  	[bflag:$0x0] =	sbarrier.arrive $0xFFFF  }
0x8e: {  	_ =	strace $0x90000047  }
0x8f: {  	s0 =	stileid.u32;
	[bflag:$0x2] =	sbarrier.arrive $0xFFFF  }
0x90: {  	p0 =	sne.s32 s0, $0x0;
	s0 =	rddreg [dreg:$0x3]  }
0x91: {  	s0 =	sadd.s32 @!p0 $0x100000, s0  }
0x92: {  	[sflag:s0] =	ssyncadd.tile.s32 @!p0 $0x1;
	_ =	shalt  }
.Lfunc_end2:
_tile_overlayer_lowered:
.L_overlay_start_2:
0x93: {  	(tag) =	ssettag $0x2  }
0x94: {  	s0 =	rddreg [dreg:$0x0];
	s2 =	stileid.u32  }
0x95: {  	s1 =	rddreg [dreg:$0x1];
	p0 =	sne.s32 s2, $0x0  }
0x96: {  	s3 =	rddreg [dreg:$0x2];
	[bflag:$0x3] =	sbarrier.arrive $0xFFFF;
	s2 =	simm.s32 @!p0 $0x1C05  }
0x97: {  	[timem:s3], [sflag:s2] =	dma.local @!p0 [hbm:s0], s1  }
0x98: {  	s0 =	simm.s32 @!p0 $0x5  }
0x99: {  	_ =	swait.ge @!p0 [sflag:s0], s1  }
0x9a: {  	s1 =	ssub.s32 @!p0 $0x0, s1;
	[sflag:s0] =	ssyncset.done @!p0 $0x0  }
0x9b: {  	[sflag:s0] =	ssyncadd.s32 @!p0 s1  }
0x9c: {  	[bflag:$0x3] =	sbarrier.arrive $0xFFFF  }
0x9d: {  	_ =	shalt  }

// kernel: kernel.9.cloned.1.call-start
scs
__scs_entry_jumppad:
0x0: {  	(pc) =	sbr.rel $0x88, $3  }
0x1: {  	(tag) =	ssettag $0x0;
	lr =	simm.s32 $0x1  }
0x2: {  	[smem:$0x3F9E] =	sst lr;
	_ =	strace $0xD0000000  }
0x3: {  	_ = 	snop  }
0x4: {  	_ = 	snop  }
0x5: {  	_ = 	snop  }
0x6: {  	_ = 	snop  }
0x7: {  	_ = 	snop  }
__scs_overlays_trampoline_lowered:
0x8: {  	[smem:$0x3FAD] =	sst s0  }
0x9: {  	[smem:$0x3FAE] =	sst s1  }
0xa: {  	[smem:$0x3FAF] =	sst s2  }
0xb: {  	[smem:$0x3FB0] =	sst s3  }
0xc: {  	[smem:$0x3FB1] =	sst s4  }
0xd: {  	[smem:$0x3FB2] =	sst s5  }
0xe: {  	[smem:$0x3FB3] =	sst s6  }
0xf: {  	[smem:$0x3FB4] =	sst s7  }
0x10: {  	[smem:$0x3FB5] =	sst s8  }
0x11: {  	[smem:$0x3FB6] =	sst s9;
	s0 =	simm.s32 @!p0 $0x0  }
0x12: {  	s1 =	sld [smem:$0x3F9C];
	s0 =	simm.s32 @p0 $0x1  }
0x13: {  	[smem:$0x3FB7] =	sst s0;
	s0 =	simm.s32 @!p1 $0x0  }
0x14: {  	s2 =	sld [smem:$0x3F9B];
	s0 =	simm.s32 @p1 $0x1  }
0x15: {  	[smem:$0x3FB8] =	sst s0;
	s0 =	simm.s32 @!p2 $0x0  }
0x16: {  	s3 =	sld [smem:$0x3FDB];
	s0 =	simm.s32 @p2 $0x1  }
0x17: {  	s4 =	simm.s32 $0x1BF5;
	[smem:$0x3FBA] =	sst s0  }
0x18: {  	s0 =	sld [smem:$0x3F9D];
	_ =	swait.ge [sflag:s4], $0x0  }
0x19: {  	s7 =	sld [smem:$0x3F9E]  }
0x1a: {  	s8 =	sadd.s32 $0xFFFFE003, lr  }
0x1b: {  	s9 =	sadd.s32 $0xFFFFFEF7, lr;
	s5 =	simm.s32 $0xFFFFFFFF;
	p2 =	slt.u32 s8, $0xFFFFF086  }
0x1c: {  	p1 =	slt.u32 s9, $0xF7A;
	s5 =	simm.s32 @!p2 $0x0  }
0x1d: {  	s5 =	simm.s32 @p1 $0x1;
	p0 =	seq.s32 s7, s2  }
0x1e: {  	s7 =	smul.u32 @!p0 $0xF7A, s2;
	p2 =	seq.s32 @!p0 s5, $0x0  }
0x1f: {  	s9 =	smul.u32 $0xF7A, s1;
	s8 =	simm.s32 @!p0 $0x1BF5;
	p2 =	por !p2, p0  }
0x20: {  	[sflag:s8] =	ssyncset.s32 @!p0 $0xFFFFF086;
	s6 =	sadd.s32 @!p0 s3, s7;
	s7 =	simm.s32 @!p0 $0x108  }
0x21: {  	s3 =	sadd.s32 s3, s9;
	s6 =	sadd.s32 @!p0 $0x88, s6;
	s7 =	simm.s32 @p2 $0x1082  }
0x22: {  	[simem:s7], [sflag:s8] =	dma.local @!p0 [hbm:s6], $0xF7A  }
0x23: {  	s9 =	sor.u32 $0xD0000000, s2;
	s6 =	simm.s32 $0x108;
	_ =	swait.ge @!p0 [sflag:s8], $0x0  }
0x24: {  	s3 =	sadd.s32 $0x88, s3;
	s6 =	simm.s32 @!p1 $0x1082;
	[sflag:s4] =	ssyncset.s32 $0xFFFFF086  }
0x25: {  	[simem:s6], [sflag:s4] =	dma.local [hbm:s3], $0xF7A  }
0x26: {  	[smem:$0x3F9E] =	sst s1;
	(tag) =	ssettag s2;
	_ =	strace s9  }
0x27: {  	s1 =	sld [smem:$0x3FAE]  }
0x28: {  	s2 =	sld [smem:$0x3FAF]  }
0x29: {  	s4 =	sld [smem:$0x3FB1]  }
0x2a: {  	p0 =	seq.s32 s5, $0x0;
	s5 =	sld [smem:$0x3FB2]  }
0x2b: {  	s6 =	sld [smem:$0x3FB3]  }
0x2c: {  	s7 =	sld [smem:$0x3FB4]  }
0x2d: {  	s3 =	simm.s32 $0x108;
	s8 =	sld [smem:$0x3FB5]  }
0x2e: {  	s3 =	simm.s32 @!p0 $0x1082;
	s9 =	sld [smem:$0x3FB6]  }
0x2f: {  	lr =	sadd.s32 s0, s3;
	s0 =	sld [smem:$0x3FAD]  }
0x30: {  	s3 =	sld [smem:$0x3FB0]  }
0x31: {  	[smem:$0x3FB9] =	sst s10  }
0x32: {  	s10 =	sld [smem:$0x3FB7];
	_ =	sdelay $0x3  }
0x33: {  	p0 =	seq.s32 s10, $0x1;
	s10 =	sld [smem:$0x3FB9];
	_ =	sdelay $0x3  }
0x34: {  	[smem:$0x3FB9] =	sst s10  }
0x35: {  	s10 =	sld [smem:$0x3FB8];
	_ =	sdelay $0x3  }
0x36: {  	p1 =	seq.s32 s10, $0x1;
	s10 =	sld [smem:$0x3FB9];
	_ =	sdelay $0x3  }
0x37: {  	[smem:$0x3FB9] =	sst s10  }
0x38: {  	s10 =	sld [smem:$0x3FBA]  }
0x39: {  	_ = 	snop;
	(pc) =	sbr.ind lr, $3  }
0x3a: {  	_ = 	snop  }
0x3b: {  	_ = 	snop  }
0x3c: {  	p2 =	seq.s32 s10, $0x1;
	s10 =	sld [smem:$0x3FB9]  }
0x3d: {  	_ =	shalt  }
0x3e: {  	_ =	shalt  }
0x3f: {  	_ =	shalt  }
0x40: {  	_ =	shalt  }
0x41: {  	_ =	shalt  }
0x42: {  	_ =	shalt  }
0x43: {  	_ =	shalt  }
0x44: {  	_ =	shalt  }
0x45: {  	_ =	shalt  }
0x46: {  	_ =	shalt  }
0x47: {  	_ =	shalt  }
0x48: {  	_ =	shalt  }
0x49: {  	_ =	shalt  }
0x4a: {  	_ =	shalt  }
0x4b: {  	_ =	shalt  }
0x4c: {  	_ =	shalt  }
0x4d: {  	_ =	shalt  }
0x4e: {  	_ =	shalt  }
0x4f: {  	_ =	shalt  }
0x50: {  	_ =	shalt  }
0x51: {  	_ =	shalt  }
0x52: {  	_ =	shalt  }
0x53: {  	_ =	shalt  }
0x54: {  	_ =	shalt  }
0x55: {  	_ =	shalt  }
0x56: {  	_ =	shalt  }
0x57: {  	_ =	shalt  }
0x58: {  	_ =	shalt  }
0x59: {  	_ =	shalt  }
0x5a: {  	_ =	shalt  }
0x5b: {  	_ =	shalt  }
0x5c: {  	_ =	shalt  }
0x5d: {  	_ =	shalt  }
0x5e: {  	_ =	shalt  }
0x5f: {  	_ =	shalt  }
0x60: {  	_ =	shalt  }
0x61: {  	_ =	shalt  }
0x62: {  	_ =	shalt  }
0x63: {  	_ =	shalt  }
0x64: {  	_ =	shalt  }
0x65: {  	_ =	shalt  }
0x66: {  	_ =	shalt  }
0x67: {  	_ =	shalt  }
0x68: {  	_ =	shalt  }
0x69: {  	_ =	shalt  }
0x6a: {  	_ =	shalt  }
0x6b: {  	_ =	shalt  }
0x6c: {  	_ =	shalt  }
0x6d: {  	_ =	shalt  }
0x6e: {  	_ =	shalt  }
0x6f: {  	_ =	shalt  }
0x70: {  	_ =	shalt  }
0x71: {  	_ =	shalt  }
0x72: {  	_ =	shalt  }
0x73: {  	_ =	shalt  }
0x74: {  	_ =	shalt  }
0x75: {  	_ =	shalt  }
0x76: {  	_ =	shalt  }
0x77: {  	_ =	shalt  }
0x78: {  	_ =	shalt  }
0x79: {  	_ =	shalt  }
0x7a: {  	_ =	shalt  }
0x7b: {  	_ =	shalt  }
0x7c: {  	_ =	shalt  }
0x7d: {  	_ =	shalt  }
0x7e: {  	_ =	shalt  }
0x7f: {  	_ =	shalt  }
0x80: {  	_ =	shalt  }
0x81: {  	_ =	shalt  }
0x82: {  	_ =	shalt  }
0x83: {  	_ =	shalt  }
0x84: {  	_ =	shalt  }
0x85: {  	_ =	shalt  }
0x86: {  	_ =	shalt  }
0x87: {  	_ =	shalt  }
.Lfunc_end0:
.L_simem_size_0:
called_computation.1_lowered:
.L_overlay_start_0:
0x88: {  	s2 =	sld [smem:$0x3FD9]  }
0x89: {  	s3 =	sld [smem:$0x3FFE];
	_ =	sdelay $0x1  }
0x8a: {  	s1 =	srdreg.scid  }
0x8b: {  	s0 =	sand.u32 $0x1, s1  }
0x8c: {  	s17 =	sshll.u32 s0, $0xA;
	s2 =	sadd.s32 s3, s2  }
0x8d: {  	s2 =	sadd.s32 s2, s17  }
0x8e: {  	[smem:$0x3FC5] =	sst s2  }
0x8f: {  	_ = 	snop  }
0x90: {  	s2 =	sld [smem:$0x3FD0];
	(tm) =	ssettm $0x1  }
0x91: {  	s18 =	sld [smem:$0x3FFB];
	_ =	sdelay $0x3  }
0x92: {  	_ =	strace s18  }
0x93: {  	s3 =	sld [smem:$0x3FFC];
	_ =	sdelay $0x3  }
0x94: {  	_ =	strace s3  }
0x95: {  	s3 =	sld [smem:$0x3FFD];
	_ =	sdelay $0x3  }
0x96: {  	_ =	strace s3  }
0x97: {  	_ =	strace $0x8FFFFFFF  }
0x98: {  	s19 =	sld [smem:$0x3FDB];
	_ =	sdelay $0x1  }
0x99: {  	s4 =	simm.s32 $_scs_section_size  }
0x9a: {  	s5 =	simm.s32 $_size__tile_overlayer_lowered;
	s6 =	simm.s32 $_tile_overlayer_lowered  }
0x9b: {  	s22 =	simm.s32 $0x1BFF;
	s21 =	sshll.u32 s6, $0x1;
	s3 =	sadd.s32 s4, s19  }
0x9c: {  	s7 =	simm.s32 $0x0;
	s20 =	sshll.u32 s5, $0x1;
	s5 =	sadd.s32 s21, s3  }
0x9d: {  	[timem:s7], [sflag:s22] =	dma.local [hbm:s5], s20  }
0x9e: {  	_ =	swait.ge [sflag:s22], s20  }
0x9f: {  	s4 =	ssub.s32 $0x0, s20;
	[sflag:s22] =	ssyncset.done $0x0  }
0xa0: {  	[sflag:s22] =	ssyncadd.s32 s4;
	_ =	sdelay $0x1  }
0xa1: {  	s23 =	simm.s32 $0x1B8B  }
0xa2: {  	_ =	swait.ge [sflag:s23], $0x1  }
0xa3: {  	[sflag:s23] =	ssyncset.done $0x0  }
0xa4: {  	s25 =	simm.s32 $0x1B8E;
	s24 =	sld [smem:$0x3FFE];
	[sflag:s23] =	ssyncadd.s32 $0xFFFFFFFF  }
0xa5: {  	s26 =	simm.s32 $execute0_lowered;
	[smem:$0x3FD2] =	sst s25  }
0xa6: {  	s5 =	sshll.u32 s26, $0x1;
	_ =	strace $0x80000049;
	[dreg:$0x1] =	wrdreg $0xFFFFFFFF  }
0xa7: {  	s28 =	simm.s32 $_size_execute0_lowered;
	s3 =	sadd.s32 s3, s5;
	[dreg:$0x0] =	wrdreg $0x0  }
0xa8: {  	s5 =	sshll.u32 s28, $0x1;
	[dreg:$0x2] =	wrdreg s3  }
0xa9: {  	[dreg:$0x3] =	wrdreg s5  }
0xaa: {  	[dreg:$0x4] =	wrdreg $0xC0  }
0xab: {  	_ =	task [dreg:s7], $0x5FFFF  }
0xac: {  	[dreg:$0x1] =	wrdreg $0xFFFFFFFF  }
0xad: {  	[dreg:$0x0] =	wrdreg $0x60  }
0xae: {  	[dreg:$0x2] =	wrdreg s24  }
0xaf: {  	[dreg:$0x3] =	wrdreg s2  }
0xb0: {  	[dreg:$0x4] =	wrdreg $0x9  }
0xb1: {  	_ =	task.clear_ibuf [dreg:s7], $0x5FFFF;
	_ =	strace $0x90000049  }
0xb2: {  	s29 =	simm.s32 $0x9;
	_ =	strace $0x8000004B  }
0xb3: {  	_ =	swait.ge [sflag:s29], $0x1  }
0xb4: {  	[sflag:s29] =	ssyncadd.s32 $0xFFFFFFFF  }
0xb5: {  	_ =	strace $0x9000004B  }
0xb6: {  	_ =	sfence  }
0xb7: {  	s30 =	sld [smem:$0x0];
	_ =	sdelay $0x2  }
0xb8: {  	s31 =	sshll.u32 s1, $0xD;
	s1 =	sshrl.u32 s1, $0x2  }
0xb9: {  	s3 =	sand.u32 $0x4000, s31;
	s1 =	sadd.s32 s1, s30  }
0xba: {  	s0 =	sor.u32 s3, s0;
	s1 =	sshll.u32 s1, $0x11  }
0xbb: {  	s0 =	sor.u32 s1, s0  }
0xbc: {  	s0 =	sadd.s32 $0x8F2B, s0  }
0xbd: {  	[sflag:s0] =	ssyncadd.remote.s32 $0x1  }
0xbe: {  	_ =	sfence.sel $0xFFFF  }
0xbf: {  	[dreg:$0x0] =	wrdreg $0xFFFFFFFF;
	(pc) =	sbr.abs _section_cstart, $3  }
0xc0: {  	[dreg:$0x1] =	wrdreg $0xFFFFFFFF  }
0xc1: {  	_ =	task.clear_ibuf [dreg:s7], $0x2FFFF;
	_ =	strace $0x9FFFFFFF  }
0xc2: {  	(tm) =	ssettm $0x7FFFFFFF  }
0xc3: {  	_ =	shalt  }
tec
execute0_lowered:
.L_overlay_start_1:
0x0: {  	(tag) =	ssettag $0x1  }
0x1: {  	s0 =	rddreg [dreg:$0x0]  }
0x2: {  	s1 =	rddreg [dreg:$0x1];
	s3 =	srdreg.scid  }
0x3: {  	s2 =	simm.s32 $0x0;
	s4 =	stileid.u32;
	s14 =	simm.s32 $0x3  }
0x4: {  	s30 =	simm.s32 $0x2;
	s31 =	simm.s32 $0x100;
	s16 =	simm.s32 $0x1900  }
0x5: {  	s17 =	simm.s32 $0x2100;
	s18 =	simm.s32 $0x2900;
	s19 =	simm.s32 $0x3100  }
0x6: {  	s20 =	simm.s32 $0x3900;
	s28 =	simm.s32 $0x7900;
	s29 =	simm.s32 $0x8100  }
0x7: {  	s3 =	sand.u32 $0x1, s3;
	[smem:$0x7FF] =	sst s2;
	s4 =	sshll.u32 s4, $0x7  }
0x8: {  	s9 =	sadd.s32 $0x1200, s0;
	s5 =	sshll.u32 s3, $0x6;
	_ =	strace $0x8000004A  }
0x9: {  	s21 =	ssub.s32 $0x2, s3;
	s3 =	sadd.s32 $0x1400, s0;
	s8 =	sor.u32 s5, s4  }
0xa: {  	s6 =	sshrl.u32 s21, $0x1;
	s4 =	sadd.s32 $0x1500, s0;
	s5 =	sshrl.u32 s8, $0x3  }
0xb: {  	s11 =	ssub.s32 s21, s6;
	s10 =	sor.u32 $0x10, s8;
	s6 =	sadd.s32 $0x1700, s0  }
0xc: {  	s12 =	sshll.u32 s8, $0x8;
	s13 =	sor.u32 $0x20, s8;
	s8 =	sor.u32 $0x30, s8  }
0xd: {  	s21 =	simm.s32 $0x4100;
	s5 =	sadd.s32 s9, s5;
	s7 =	sshrl.u32 s10, $0x3  }
0xe: {  	s12 =	sadd.s32 s1, s12;
	s22 =	sshrl.u32 s13, $0x3;
	s10 =	sshll.u32 s10, $0x8  }
0xf: {  	s23 =	sshrl.u32 s8, $0x3;
	s24 =	sshll.u32 s13, $0x8;
	s26 =	sshll.u32 s8, $0x8  }
0x10: {  	s8 =	sadd.s32 $0x1900, s0;
	s11 =	smax.u32 s11, $0x1;
	[dreg:$0x3] =	wrdreg s5  }
0x11: {  	s5 =	sadd.s32 $0x1600, s0;
	s7 =	sadd.s32 s9, s7;
	[dreg:$0x5] =	wrdreg s12  }
0x12: {  	s12 =	sadd.s32 s9, s22;
	s10 =	sadd.s32 s1, s10;
	[dreg:$0x4] =	wrdreg s7  }
0x13: {  	s9 =	sadd.s32 s9, s23;
	s25 =	sadd.s32 s1, s24;
	[dreg:$0x6] =	wrdreg s12  }
0x14: {  	s1 =	sadd.s32 s1, s26;
	s22 =	simm.s32 $0x4900;
	[dreg:$0x7] =	wrdreg s10  }
0x15: {  	s23 =	simm.s32 $0x5100;
	s24 =	simm.s32 $0x5900;
	[dreg:$0x8] =	wrdreg s9  }
0x16: {  	v2 =	vlaneseq.u32;
	s26 =	simm.s32 $0x6900;
	s7 =	sadd.s32 $0x1800, s0;
	[dreg:$0x9] =	wrdreg s25  }
0x17: {  	vm0 =	vmmov $0xffff;
	v1 =	vshrl.u32 v2, $0x3;
	s9 =	sadd.s32 $0x1A00, s0;
	s10 =	sadd.s32 $0x1B00, s0;
	[dreg:$0xa] =	wrdreg s1  }
0x18: {  	v0 =	vand.u32 $0x7, v2;
	v2 =	vor.u32 $0x8, v2;
	v1 =	vmul.u32 $0x8, v1;
	s12 =	simm.s32 $0x5;
	s0 =	simm.s32 $0x4;
	s25 =	simm.s32 $0x6100  }
.LBB2_1:
0x19: {  	s1 =	rddreg [dreg:$0x3]  }
0x1a: {  	[tilespmem:s2], [sflag:$0x5] =	stream.linear.gather [hbm4b:s1+s2], $0x10, $0x38;
	[tilespmem:$0x10100] =	vst v63  }
0x1b: {  	_ =	swait.ge [sflag:s12], $0x10  }
0x1c: {  	[sflag:s12] =	ssyncset.done $0x0  }
0x1d: {  	[sflag:s12] =	ssyncadd.s32 $0xFFFFFFF0  }
0x1e: {  	v3 =	vld [tilespmem:$0x0];
	_ =	sdelay $0x4  }
0x1f: {  	v4 =	vshll.u32 v3, $0x4  }
0x20: {  	v3 =	vand.u32 $0x7, v3;
	v4 =	vand.u32 $0xFFFFFF80, v4  }
0x21: {  	v3 =	vor.u32 v3, v4  }
0x22: {  	v4 =	vperm.xlane v3, v0;
	_ =	sdelay $0x1  }
0x23: {  	v4 =	vadd.s32 v1, v4;
	_ =	sdelay $0x4  }
0x24: {  	[tilespmem:s31], [sflag:$0x1] =	stream.indirect_vreg.gather [hbm4b:s3+s2], $0x80, v4, vm0, $0xb8;
	[tilespmem:$0x10100] =	vst v63  }
0x25: {  	s15 =	simm.s32 $0x900  }
0x26: {  	[tilespmem:s15], [sflag:$0x1] =	stream.indirect_vreg.gather [hbm4b:s4+s2], $0x80, v4, vm0, $0xb8;
	[tilespmem:$0x10100] =	vst v63  }
0x27: {  	s15 =	simm.s32 $0x1100  }
0x28: {  	[tilespmem:s15], [sflag:$0x1] =	stream.indirect_vreg.gather [hbm4b:s5+s2], $0x80, v4, vm0, $0xb8;
	[tilespmem:$0x10100] =	vst v63  }
0x29: {  	_ = 	snop  }
0x2a: {  	[tilespmem:s16], [sflag:$0x1] =	stream.indirect_vreg.gather [hbm4b:s6+s2], $0x80, v4, vm0, $0xb8;
	[tilespmem:$0x10100] =	vst v63  }
0x2b: {  	_ = 	snop  }
0x2c: {  	[tilespmem:s17], [sflag:$0x1] =	stream.indirect_vreg.gather [hbm4b:s7+s2], $0x80, v4, vm0, $0xb8;
	[tilespmem:$0x10100] =	vst v63  }
0x2d: {  	v3 =	vperm.xlane v3, v2  }
0x2e: {  	[tilespmem:s18], [sflag:$0x1] =	stream.indirect_vreg.gather [hbm4b:s8+s2], $0x80, v4, vm0, $0xb8;
	[tilespmem:$0x10100] =	vst v63  }
0x2f: {  	v3 =	vadd.s32 v1, v3  }
0x30: {  	[tilespmem:s19], [sflag:$0x1] =	stream.indirect_vreg.gather [hbm4b:s9+s2], $0x80, v4, vm0, $0xb8;
	[tilespmem:$0x10100] =	vst v63  }
0x31: {  	_ = 	snop  }
0x32: {  	[tilespmem:s20], [sflag:$0x1] =	stream.indirect_vreg.gather [hbm4b:s10+s2], $0x80, v4, vm0, $0xb8;
	[tilespmem:$0x10100] =	vst v63  }
0x33: {  	_ = 	snop  }
0x34: {  	[tilespmem:s21], [sflag:$0x1] =	stream.indirect_vreg.gather [hbm4b:s3+s2], $0x80, v3, vm0, $0xb8;
	[tilespmem:$0x10100] =	vst v63  }
0x35: {  	_ = 	snop  }
0x36: {  	[tilespmem:s22], [sflag:$0x1] =	stream.indirect_vreg.gather [hbm4b:s4+s2], $0x80, v3, vm0, $0xb8;
	[tilespmem:$0x10100] =	vst v63  }
0x37: {  	_ = 	snop  }
0x38: {  	[tilespmem:s23], [sflag:$0x1] =	stream.indirect_vreg.gather [hbm4b:s5+s2], $0x80, v3, vm0, $0xb8;
	[tilespmem:$0x10100] =	vst v63  }
0x39: {  	_ = 	snop  }
0x3a: {  	[tilespmem:s24], [sflag:$0x1] =	stream.indirect_vreg.gather [hbm4b:s6+s2], $0x80, v3, vm0, $0xb8;
	[tilespmem:$0x10100] =	vst v63  }
0x3b: {  	_ = 	snop  }
0x3c: {  	[tilespmem:s25], [sflag:$0x1] =	stream.indirect_vreg.gather [hbm4b:s7+s2], $0x80, v3, vm0, $0xb8;
	[tilespmem:$0x10100] =	vst v63  }
0x3d: {  	_ = 	snop  }
0x3e: {  	[tilespmem:s26], [sflag:$0x1] =	stream.indirect_vreg.gather [hbm4b:s8+s2], $0x80, v3, vm0, $0xb8;
	[tilespmem:$0x10100] =	vst v63  }
0x3f: {  	s13 =	simm.s32 $0x7100  }
0x40: {  	[tilespmem:s13], [sflag:$0x1] =	stream.indirect_vreg.gather [hbm4b:s9+s2], $0x80, v3, vm0, $0xb8;
	[tilespmem:$0x10100] =	vst v63  }
0x41: {  	_ = 	snop  }
0x42: {  	[tilespmem:s28], [sflag:$0x1] =	stream.indirect_vreg.gather [hbm4b:s10+s2], $0x80, v3, vm0, $0xb8;
	[tilespmem:$0x10100] =	vst v63  }
0x43: {  	s1 =	rddreg [dreg:$0x4];
	s13 =	simm.s32 $0x80  }
0x44: {  	[tilespmem:s13], [sflag:$0x5] =	stream.linear.gather [hbm4b:s1+s2], $0x10, $0x38;
	[tilespmem:$0x10100] =	vst v63  }
0x45: {  	_ =	swait.ge [sflag:s12], $0x10  }
0x46: {  	[sflag:s12] =	ssyncset.done $0x0  }
0x47: {  	[sflag:s12] =	ssyncadd.s32 $0xFFFFFFF0  }
0x48: {  	v3 =	vld [tilespmem:$0x80];
	_ =	sdelay $0x4  }
0x49: {  	v61 =	vshll.u32 v3, $0x4  }
0x4a: {  	v3 =	vand.u32 $0x7, v3;
	v4 =	vand.u32 $0xFFFFFF80, v61  }
0x4b: {  	v3 =	vor.u32 v3, v4  }
0x4c: {  	v4 =	vperm.xlane v3, v0;
	_ =	sdelay $0x1  }
0x4d: {  	v4 =	vadd.s32 v1, v4;
	_ =	sdelay $0x4  }
0x4e: {  	[tilespmem:s29], [sflag:$0x2] =	stream.indirect_vreg.gather [hbm4b:s3+s2], $0x80, v4, vm0, $0xb8;
	[tilespmem:$0x10100] =	vst v63  }
0x4f: {  	s13 =	simm.s32 $0x8900  }
0x50: {  	[tilespmem:s13], [sflag:$0x2] =	stream.indirect_vreg.gather [hbm4b:s4+s2], $0x80, v4, vm0, $0xb8;
	[tilespmem:$0x10100] =	vst v63  }
0x51: {  	s13 =	simm.s32 $0x9100  }
0x52: {  	[tilespmem:s13], [sflag:$0x2] =	stream.indirect_vreg.gather [hbm4b:s5+s2], $0x80, v4, vm0, $0xb8;
	[tilespmem:$0x10100] =	vst v63  }
0x53: {  	s13 =	simm.s32 $0x9900  }
0x54: {  	[tilespmem:s13], [sflag:$0x2] =	stream.indirect_vreg.gather [hbm4b:s6+s2], $0x80, v4, vm0, $0xb8;
	[tilespmem:$0x10100] =	vst v63  }
0x55: {  	s13 =	simm.s32 $0xA100  }
0x56: {  	[tilespmem:s13], [sflag:$0x2] =	stream.indirect_vreg.gather [hbm4b:s7+s2], $0x80, v4, vm0, $0xb8;
	[tilespmem:$0x10100] =	vst v63  }
0x57: {  	v3 =	vperm.xlane v3, v2;
	s13 =	simm.s32 $0xA900  }
0x58: {  	[tilespmem:s13], [sflag:$0x2] =	stream.indirect_vreg.gather [hbm4b:s8+s2], $0x80, v4, vm0, $0xb8;
	[tilespmem:$0x10100] =	vst v63  }
0x59: {  	v3 =	vadd.s32 v1, v3;
	s13 =	simm.s32 $0xB100  }
0x5a: {  	[tilespmem:s13], [sflag:$0x2] =	stream.indirect_vreg.gather [hbm4b:s9+s2], $0x80, v4, vm0, $0xb8;
	[tilespmem:$0x10100] =	vst v63  }
0x5b: {  	s13 =	simm.s32 $0xB900  }
0x5c: {  	[tilespmem:s13], [sflag:$0x2] =	stream.indirect_vreg.gather [hbm4b:s10+s2], $0x80, v4, vm0, $0xb8;
	[tilespmem:$0x10100] =	vst v63  }
0x5d: {  	s13 =	simm.s32 $0xC100  }
0x5e: {  	[tilespmem:s13], [sflag:$0x2] =	stream.indirect_vreg.gather [hbm4b:s3+s2], $0x80, v3, vm0, $0xb8;
	[tilespmem:$0x10100] =	vst v63  }
0x5f: {  	s13 =	simm.s32 $0xC900  }
0x60: {  	[tilespmem:s13], [sflag:$0x2] =	stream.indirect_vreg.gather [hbm4b:s4+s2], $0x80, v3, vm0, $0xb8;
	[tilespmem:$0x10100] =	vst v63  }
0x61: {  	s13 =	simm.s32 $0xD100  }
0x62: {  	[tilespmem:s13], [sflag:$0x2] =	stream.indirect_vreg.gather [hbm4b:s5+s2], $0x80, v3, vm0, $0xb8;
	[tilespmem:$0x10100] =	vst v63  }
0x63: {  	s13 =	simm.s32 $0xD900  }
0x64: {  	[tilespmem:s13], [sflag:$0x2] =	stream.indirect_vreg.gather [hbm4b:s6+s2], $0x80, v3, vm0, $0xb8;
	[tilespmem:$0x10100] =	vst v63  }
0x65: {  	s13 =	simm.s32 $0xE100  }
0x66: {  	[tilespmem:s13], [sflag:$0x2] =	stream.indirect_vreg.gather [hbm4b:s7+s2], $0x80, v3, vm0, $0xb8;
	[tilespmem:$0x10100] =	vst v63  }
0x67: {  	s13 =	simm.s32 $0xE900  }
0x68: {  	[tilespmem:s13], [sflag:$0x2] =	stream.indirect_vreg.gather [hbm4b:s8+s2], $0x80, v3, vm0, $0xb8;
	[tilespmem:$0x10100] =	vst v63  }
0x69: {  	s13 =	simm.s32 $0xF100  }
0x6a: {  	[tilespmem:s13], [sflag:$0x2] =	stream.indirect_vreg.gather [hbm4b:s9+s2], $0x80, v3, vm0, $0xb8;
	[tilespmem:$0x10100] =	vst v63  }
0x6b: {  	s13 =	simm.s32 $0xF900  }
0x6c: {  	[tilespmem:s13], [sflag:$0x2] =	stream.indirect_vreg.gather [hbm4b:s10+s2], $0x80, v3, vm0, $0xb8;
	[tilespmem:$0x10100] =	vst v63  }
0x6d: {  	s13 =	simm.s32 $0x1  }
0x6e: {  	_ =	swait.ge [sflag:s13], $0x8000  }
0x6f: {  	[sflag:s13] =	ssyncset.done $0x0  }
0x70: {  	s1 =	rddreg [dreg:$0x5];
	[sflag:s13] =	ssyncadd.s32 $0xFFFF8000  }
0x71: {  	[hbm4b:s1+s2] =	stream.linear.scatter [tilespmem:s31], [sflag:$0x3], $0x8000, $0x38;
	[tilespmem:$0x10100] =	vst v63  }
0x72: {  	_ =	swait.ge [sflag:s14], $0x8000  }
0x73: {  	[sflag:s14] =	ssyncset.done $0x0  }
0x74: {  	s1 =	rddreg [dreg:$0x6];
	[sflag:s14] =	ssyncadd.s32 $0xFFFF8000  }
0x75: {  	[tilespmem:s2], [sflag:$0x5] =	stream.linear.gather [hbm4b:s1+s2], $0x10, $0x38;
	[tilespmem:$0x10100] =	vst v63  }
0x76: {  	_ =	swait.ge [sflag:s12], $0x10  }
0x77: {  	[sflag:s12] =	ssyncset.done $0x0  }
0x78: {  	[sflag:s12] =	ssyncadd.s32 $0xFFFFFFF0  }
0x79: {  	v3 =	vld [tilespmem:$0x0];
	_ =	sdelay $0x4  }
0x7a: {  	v62 =	vshll.u32 v3, $0x4  }
0x7b: {  	v3 =	vand.u32 $0x7, v3;
	v4 =	vand.u32 $0xFFFFFF80, v62  }
0x7c: {  	v3 =	vor.u32 v3, v4  }
0x7d: {  	v4 =	vperm.xlane v3, v0;
	_ =	sdelay $0x1  }
0x7e: {  	v4 =	vadd.s32 v1, v4;
	_ =	sdelay $0x4  }
0x7f: {  	[tilespmem:s31], [sflag:$0x1] =	stream.indirect_vreg.gather [hbm4b:s3+s2], $0x80, v4, vm0, $0xb8;
	[tilespmem:$0x10100] =	vst v63  }
0x80: {  	s1 =	simm.s32 $0x900  }
0x81: {  	[tilespmem:s1], [sflag:$0x1] =	stream.indirect_vreg.gather [hbm4b:s4+s2], $0x80, v4, vm0, $0xb8;
	[tilespmem:$0x10100] =	vst v63  }
0x82: {  	_ = 	snop  }
0x83: {  	[tilespmem:s15], [sflag:$0x1] =	stream.indirect_vreg.gather [hbm4b:s5+s2], $0x80, v4, vm0, $0xb8;
	[tilespmem:$0x10100] =	vst v63  }
0x84: {  	_ = 	snop  }
0x85: {  	[tilespmem:s16], [sflag:$0x1] =	stream.indirect_vreg.gather [hbm4b:s6+s2], $0x80, v4, vm0, $0xb8;
	[tilespmem:$0x10100] =	vst v63  }
0x86: {  	_ = 	snop  }
0x87: {  	[tilespmem:s17], [sflag:$0x1] =	stream.indirect_vreg.gather [hbm4b:s7+s2], $0x80, v4, vm0, $0xb8;
	[tilespmem:$0x10100] =	vst v63  }
0x88: {  	v3 =	vperm.xlane v3, v2  }
0x89: {  	[tilespmem:s18], [sflag:$0x1] =	stream.indirect_vreg.gather [hbm4b:s8+s2], $0x80, v4, vm0, $0xb8;
	[tilespmem:$0x10100] =	vst v63  }
0x8a: {  	v3 =	vadd.s32 v1, v3  }
0x8b: {  	[tilespmem:s19], [sflag:$0x1] =	stream.indirect_vreg.gather [hbm4b:s9+s2], $0x80, v4, vm0, $0xb8;
	[tilespmem:$0x10100] =	vst v63  }
0x8c: {  	_ = 	snop  }
0x8d: {  	[tilespmem:s20], [sflag:$0x1] =	stream.indirect_vreg.gather [hbm4b:s10+s2], $0x80, v4, vm0, $0xb8;
	[tilespmem:$0x10100] =	vst v63  }
0x8e: {  	_ = 	snop  }
0x8f: {  	[tilespmem:s21], [sflag:$0x1] =	stream.indirect_vreg.gather [hbm4b:s3+s2], $0x80, v3, vm0, $0xb8;
	[tilespmem:$0x10100] =	vst v63  }
0x90: {  	_ = 	snop  }
0x91: {  	[tilespmem:s22], [sflag:$0x1] =	stream.indirect_vreg.gather [hbm4b:s4+s2], $0x80, v3, vm0, $0xb8;
	[tilespmem:$0x10100] =	vst v63  }
0x92: {  	_ = 	snop  }
0x93: {  	[tilespmem:s23], [sflag:$0x1] =	stream.indirect_vreg.gather [hbm4b:s5+s2], $0x80, v3, vm0, $0xb8;
	[tilespmem:$0x10100] =	vst v63  }
0x94: {  	_ = 	snop  }
0x95: {  	[tilespmem:s24], [sflag:$0x1] =	stream.indirect_vreg.gather [hbm4b:s6+s2], $0x80, v3, vm0, $0xb8;
	[tilespmem:$0x10100] =	vst v63  }
0x96: {  	_ = 	snop  }
0x97: {  	[tilespmem:s25], [sflag:$0x1] =	stream.indirect_vreg.gather [hbm4b:s7+s2], $0x80, v3, vm0, $0xb8;
	[tilespmem:$0x10100] =	vst v63  }
0x98: {  	_ = 	snop  }
0x99: {  	[tilespmem:s26], [sflag:$0x1] =	stream.indirect_vreg.gather [hbm4b:s8+s2], $0x80, v3, vm0, $0xb8;
	[tilespmem:$0x10100] =	vst v63  }
0x9a: {  	s15 =	simm.s32 $0x7100  }
0x9b: {  	[tilespmem:s15], [sflag:$0x1] =	stream.indirect_vreg.gather [hbm4b:s9+s2], $0x80, v3, vm0, $0xb8;
	[tilespmem:$0x10100] =	vst v63  }
0x9c: {  	_ = 	snop  }
0x9d: {  	[tilespmem:s28], [sflag:$0x1] =	stream.indirect_vreg.gather [hbm4b:s10+s2], $0x80, v3, vm0, $0xb8;
	[tilespmem:$0x10100] =	vst v63  }
0x9e: {  	_ =	swait.ge [sflag:s30], $0x8000  }
0x9f: {  	[sflag:s30] =	ssyncset.done $0x0  }
0xa0: {  	s15 =	rddreg [dreg:$0x7];
	[sflag:s30] =	ssyncadd.s32 $0xFFFF8000  }
0xa1: {  	[hbm4b:s15+s2] =	stream.linear.scatter [tilespmem:s29], [sflag:$0x4], $0x8000, $0x38;
	[tilespmem:$0x10100] =	vst v63  }
0xa2: {  	_ =	swait.ge [sflag:s0], $0x8000  }
0xa3: {  	[sflag:s0] =	ssyncset.done $0x0  }
0xa4: {  	s15 =	simm.s32 $0x80;
	s1 =	rddreg [dreg:$0x8];
	[sflag:s0] =	ssyncadd.s32 $0xFFFF8000  }
0xa5: {  	[tilespmem:s15], [sflag:$0x5] =	stream.linear.gather [hbm4b:s1+s2], $0x10, $0x38;
	[tilespmem:$0x10100] =	vst v63  }
0xa6: {  	_ =	swait.ge [sflag:s12], $0x10  }
0xa7: {  	[sflag:s12] =	ssyncset.done $0x0  }
0xa8: {  	[sflag:s12] =	ssyncadd.s32 $0xFFFFFFF0  }
0xa9: {  	v3 =	vld [tilespmem:$0x80];
	_ =	sdelay $0x4  }
0xaa: {  	v63 =	vshll.u32 v3, $0x4  }
0xab: {  	v3 =	vand.u32 $0x7, v3;
	v4 =	vand.u32 $0xFFFFFF80, v63  }
0xac: {  	v3 =	vor.u32 v3, v4  }
0xad: {  	v4 =	vperm.xlane v3, v0;
	_ =	sdelay $0x1  }
0xae: {  	v4 =	vadd.s32 v1, v4;
	_ =	sdelay $0x4  }
0xaf: {  	[tilespmem:s29], [sflag:$0x2] =	stream.indirect_vreg.gather [hbm4b:s3+s2], $0x80, v4, vm0, $0xb8;
	[tilespmem:$0x10100] =	vst v63  }
0xb0: {  	s15 =	simm.s32 $0x8900  }
0xb1: {  	[tilespmem:s15], [sflag:$0x2] =	stream.indirect_vreg.gather [hbm4b:s4+s2], $0x80, v4, vm0, $0xb8;
	[tilespmem:$0x10100] =	vst v63  }
0xb2: {  	s15 =	simm.s32 $0x9100  }
0xb3: {  	[tilespmem:s15], [sflag:$0x2] =	stream.indirect_vreg.gather [hbm4b:s5+s2], $0x80, v4, vm0, $0xb8;
	[tilespmem:$0x10100] =	vst v63  }
0xb4: {  	s15 =	simm.s32 $0x9900  }
0xb5: {  	[tilespmem:s15], [sflag:$0x2] =	stream.indirect_vreg.gather [hbm4b:s6+s2], $0x80, v4, vm0, $0xb8;
	[tilespmem:$0x10100] =	vst v63  }
0xb6: {  	s15 =	simm.s32 $0xA100  }
0xb7: {  	[tilespmem:s15], [sflag:$0x2] =	stream.indirect_vreg.gather [hbm4b:s7+s2], $0x80, v4, vm0, $0xb8;
	[tilespmem:$0x10100] =	vst v63  }
0xb8: {  	v3 =	vperm.xlane v3, v2;
	s15 =	simm.s32 $0xA900  }
0xb9: {  	[tilespmem:s15], [sflag:$0x2] =	stream.indirect_vreg.gather [hbm4b:s8+s2], $0x80, v4, vm0, $0xb8;
	[tilespmem:$0x10100] =	vst v63  }
0xba: {  	v3 =	vadd.s32 v1, v3;
	s15 =	simm.s32 $0xB100  }
0xbb: {  	[tilespmem:s15], [sflag:$0x2] =	stream.indirect_vreg.gather [hbm4b:s9+s2], $0x80, v4, vm0, $0xb8;
	[tilespmem:$0x10100] =	vst v63  }
0xbc: {  	s15 =	simm.s32 $0xB900  }
0xbd: {  	[tilespmem:s15], [sflag:$0x2] =	stream.indirect_vreg.gather [hbm4b:s10+s2], $0x80, v4, vm0, $0xb8;
	[tilespmem:$0x10100] =	vst v63  }
0xbe: {  	s15 =	simm.s32 $0xC100  }
0xbf: {  	[tilespmem:s15], [sflag:$0x2] =	stream.indirect_vreg.gather [hbm4b:s3+s2], $0x80, v3, vm0, $0xb8;
	[tilespmem:$0x10100] =	vst v63  }
0xc0: {  	s15 =	simm.s32 $0xC900  }
0xc1: {  	[tilespmem:s15], [sflag:$0x2] =	stream.indirect_vreg.gather [hbm4b:s4+s2], $0x80, v3, vm0, $0xb8;
	[tilespmem:$0x10100] =	vst v63  }
0xc2: {  	s15 =	simm.s32 $0xD100  }
0xc3: {  	[tilespmem:s15], [sflag:$0x2] =	stream.indirect_vreg.gather [hbm4b:s5+s2], $0x80, v3, vm0, $0xb8;
	[tilespmem:$0x10100] =	vst v63  }
0xc4: {  	s15 =	simm.s32 $0xD900  }
0xc5: {  	[tilespmem:s15], [sflag:$0x2] =	stream.indirect_vreg.gather [hbm4b:s6+s2], $0x80, v3, vm0, $0xb8;
	[tilespmem:$0x10100] =	vst v63  }
0xc6: {  	s15 =	simm.s32 $0xE100  }
0xc7: {  	[tilespmem:s15], [sflag:$0x2] =	stream.indirect_vreg.gather [hbm4b:s7+s2], $0x80, v3, vm0, $0xb8;
	[tilespmem:$0x10100] =	vst v63  }
0xc8: {  	s15 =	simm.s32 $0xE900  }
0xc9: {  	[tilespmem:s15], [sflag:$0x2] =	stream.indirect_vreg.gather [hbm4b:s8+s2], $0x80, v3, vm0, $0xb8;
	[tilespmem:$0x10100] =	vst v63  }
0xca: {  	s15 =	simm.s32 $0xF100  }
0xcb: {  	[tilespmem:s15], [sflag:$0x2] =	stream.indirect_vreg.gather [hbm4b:s9+s2], $0x80, v3, vm0, $0xb8;
	[tilespmem:$0x10100] =	vst v63  }
0xcc: {  	s15 =	simm.s32 $0xF900  }
0xcd: {  	[tilespmem:s15], [sflag:$0x2] =	stream.indirect_vreg.gather [hbm4b:s10+s2], $0x80, v3, vm0, $0xb8;
	[tilespmem:$0x10100] =	vst v63  }
0xce: {  	_ =	swait.ge [sflag:s13], $0x8000  }
0xcf: {  	[sflag:s13] =	ssyncset.done $0x0  }
0xd0: {  	s15 =	rddreg [dreg:$0x9];
	[sflag:s13] =	ssyncadd.s32 $0xFFFF8000  }
0xd1: {  	[hbm4b:s15+s2] =	stream.linear.scatter [tilespmem:s31], [sflag:$0x3], $0x8000, $0x38;
	[tilespmem:$0x10100] =	vst v63  }
0xd2: {  	_ =	swait.ge [sflag:s30], $0x8000  }
0xd3: {  	[sflag:s30] =	ssyncset.done $0x0  }
0xd4: {  	s15 =	rddreg [dreg:$0xa];
	[sflag:s30] =	ssyncadd.s32 $0xFFFF8000  }
0xd5: {  	[hbm4b:s15+s2] =	stream.linear.scatter [tilespmem:s29], [sflag:$0x4], $0x8000, $0x38;
	[tilespmem:$0x10100] =	vst v63  }
0xd6: {  	p0 =	sne.s32 s11, $0x1;
	_ =	swait.ge [sflag:s14], $0x8000  }
.Ltmp0:
0xd7: {  	[sflag:s14] =	ssyncset.done $0x0;
	(pc) =	sbr.rel @p0 .LBB2_1-.Ltmp0, $4  }
0xd8: {  	[sflag:s14] =	ssyncadd.s32 $0xFFFF8000  }
0xd9: {  	_ =	swait.ge [sflag:s0], $0x8000  }
0xda: {  	[sflag:s0] =	ssyncset.done $0x0  }
0xdb: {  	s11 =	sadd.s32 $0xFFFFFFFF, s11;
	[sflag:s0] =	ssyncadd.s32 $0xFFFF8000  }
0xdc: {  	_ =	sfence.sel $0x180000  }
0xdd: {  	[bflag:$0x0] =	sbarrier.arrive $0xFFFF  }
0xde: {  	_ =	strace $0x9000004A  }
0xdf: {  	s0 =	stileid.u32;
	[bflag:$0x2] =	sbarrier.arrive $0xFFFF  }
0xe0: {  	p0 =	sne.s32 s0, $0x0;
	s0 =	rddreg [dreg:$0x2]  }
0xe1: {  	s0 =	sadd.s32 @!p0 $0x100000, s0  }
0xe2: {  	[sflag:s0] =	ssyncadd.tile.s32 @!p0 $0x1;
	_ =	shalt  }
.Lfunc_end2:
_tile_overlayer_lowered:
.L_overlay_start_2:
0xe3: {  	(tag) =	ssettag $0x2  }
0xe4: {  	s0 =	rddreg [dreg:$0x0];
	s2 =	stileid.u32  }
0xe5: {  	s1 =	rddreg [dreg:$0x1];
	p0 =	sne.s32 s2, $0x0  }
0xe6: {  	s3 =	rddreg [dreg:$0x2];
	[bflag:$0x3] =	sbarrier.arrive $0xFFFF;
	s2 =	simm.s32 @!p0 $0x1C05  }
0xe7: {  	[timem:s3], [sflag:s2] =	dma.local @!p0 [hbm:s0], s1  }
0xe8: {  	s0 =	simm.s32 @!p0 $0x5  }
0xe9: {  	_ =	swait.ge @!p0 [sflag:s0], s1  }
0xea: {  	s1 =	ssub.s32 @!p0 $0x0, s1;
	[sflag:s0] =	ssyncset.done @!p0 $0x0  }
0xeb: {  	[sflag:s0] =	ssyncadd.s32 @!p0 s1  }
0xec: {  	[bflag:$0x3] =	sbarrier.arrive $0xFFFF  }
0xed: {  	_ =	shalt  }

</sc_bundles>
